<compile_context>
chip_gen: v7x
topology: tpu7x:2x2x1
jax: 0.10.2.dev20260603
libtpu: 0.0.44.dev20260713+nightly
codegen_flags: <defaults>
</compile_context>

<pallas_src>
import functools

import jax
import jax.numpy as jnp
from jax import lax
from jax.experimental import pallas as pl
from jax.experimental.pallas import tpu as pltpu
from jax.experimental.pallas import tpu_sc as plsc

NUM_EMB = 1000000
D = 64
B = 4096 * 200
NC = 2
NS = 16
NW = NC * NS
B_PER_W = B // NW
SUB = 128
CHUNK = 512
N_SUB = CHUNK // SUB
N_CHUNK = B_PER_W // CHUNK
IDX_ROWS = CHUNK // SUB


def _make_kernel():
  mesh = plsc.VectorSubcoreMesh(core_axis_name="c", subcore_axis_name="s")

  @functools.partial(
      pl.kernel,
      mesh=mesh,
      out_type=jax.ShapeDtypeStruct((B, D), jnp.float32),
      compiler_params=pltpu.CompilerParams(use_tc_tiling_on_sc=False),
      scratch_types=[
          pltpu.VMEM((2, N_SUB, SUB), jnp.int32),
          pltpu.VMEM((CHUNK, D), jnp.float32),
          pltpu.VMEM((CHUNK, D), jnp.float32),
          pltpu.SemaphoreType.DMA,
          pltpu.SemaphoreType.DMA,
          pltpu.SemaphoreType.DMA,
          pltpu.SemaphoreType.DMA,
          pltpu.SemaphoreType.DMA,
      ],
  )
  def emb_kernel(idx_hbm, table_hbm, out_hbm, idx_v, rows_v0, rows_v1,
                 idx_sem, g_sem0, g_sem1, wb_sem0, wb_sem1):
    cid = lax.axis_index("c")
    sid = lax.axis_index("s")
    wid = sid * NC + cid
    row_base = wid * (B_PER_W // SUB)
    out_base = wid * B_PER_W

    rows = (rows_v0, rows_v1)
    g_sems = (g_sem0, g_sem1)
    wb_sems = (wb_sem0, wb_sem1)

    pltpu.async_copy(idx_hbm.at[pl.ds(row_base, IDX_ROWS)], idx_v.at[0], idx_sem)

    def outer(gi, _):
      for b in range(2):
        ci = gi * 2 + b
        pltpu.make_async_copy(
            idx_hbm.at[pl.ds(0, IDX_ROWS)], idx_v.at[b], idx_sem).wait()
        @pl.when(ci >= 2)
        def _():
          pltpu.make_async_copy(
              out_hbm.at[pl.ds(0, CHUNK)], rows[b], wb_sems[b]).wait()
        copies = []
        for j in range(N_SUB):
          copies.append(
              pltpu.async_copy(
                  table_hbm.at[idx_v.at[b].at[j]],
                  rows[b].at[pl.ds(j * SUB, SUB)],
                  g_sems[b]))
        @pl.when(ci + 1 < N_CHUNK)
        def _():
          pltpu.async_copy(
              idx_hbm.at[pl.ds(row_base + (ci + 1) * IDX_ROWS, IDX_ROWS)],
              idx_v.at[1 - b], idx_sem)
        for c in copies:
          c.wait()
        pltpu.async_copy(
            rows[b], out_hbm.at[pl.ds(out_base + ci * CHUNK, CHUNK)], wb_sems[b])
      return 0

    lax.fori_loop(0, N_CHUNK // 2, outer, 0)
    for b in range(2):
      pltpu.make_async_copy(
          out_hbm.at[pl.ds(0, CHUNK)], rows[b], wb_sems[b]).wait()

  return emb_kernel


_EMB_KERNEL = _make_kernel()


@jax.jit
def kernel(token_ids, W):
  idx2d = token_ids.reshape(B // SUB, SUB).astype(jnp.int32)
  out = _EMB_KERNEL(idx2d, W)
  return out.reshape(token_ids.shape + (D,))

# --- scband reference (transcript-rebuilt; emitter-appended) ---
"""Pipeline reference for scband-embedding-77644418777689 (READ-ONLY COPY).

The authoritative reference and input builder live on the scoring server;
editing this copy changes nothing except your own understanding.
"""

import jax, jax.numpy as jnp
import numpy as np

NUM_EMBEDDINGS = 1000000
EMBEDDING_DIM = 64

def setup_inputs(seed: int = 0) -> dict:
    key = jax.random.key(seed)
    k_idx, k_w = jax.random.split(key)
    token_ids = jax.random.randint(k_idx, (4096, 200), 0, NUM_EMBEDDINGS, dtype=jnp.int64 if jax.config.jax_enable_x64 else jnp.int32)
    # trunc_normal init mean=0 std=1 a=-3 b=3
    W = jax.random.truncated_normal(k_w, -3.0, 3.0, (NUM_EMBEDDINGS, EMBEDDING_DIM), dtype=jnp.float32)
    return {"token_ids": token_ids, "W": W}

def reference(token_ids, W):
    # Faithful to: return self.W[token_ids]
    return jnp.take(W, token_ids, axis=0)

if __name__ == "__main__":
    import jax
    _d = setup_inputs()
    print(jax.jit(kernel)(*tuple(_d.values())))

</pallas_src>

<mosaic_0001>
#map = affine_map<(d0, d1) -> (0, 0)>
module attributes {stable_mosaic.version = 14 : i64} {
  func.func @emb_kernel(%arg0: i32, %arg1: i32, %arg2: memref<6400x128xi32, #tpu.memory_space<hbm>>, %arg3: memref<1000000x64xf32, #tpu.memory_space<hbm>>, %arg4: memref<819200x64xf32, #tpu.memory_space<hbm>>, %arg5: memref<2x4x128xi32, #tpu.memory_space<vmem>>, %arg6: memref<512x64xf32, #tpu.memory_space<vmem>>, %arg7: memref<512x64xf32, #tpu.memory_space<vmem>>, %arg8: memref<!tpu.dma_semaphore, #tpu.memory_space<semaphore_mem>>, %arg9: memref<!tpu.dma_semaphore, #tpu.memory_space<semaphore_mem>>, %arg10: memref<!tpu.dma_semaphore, #tpu.memory_space<semaphore_mem>>, %arg11: memref<!tpu.dma_semaphore, #tpu.memory_space<semaphore_mem>>, %arg12: memref<!tpu.dma_semaphore, #tpu.memory_space<semaphore_mem>>) attributes {dimension_semantics = [#tpu.dimension_semantics<core_parallel>, #tpu.dimension_semantics<subcore_parallel>], iteration_bounds = array<i64: 2, 16>, scalar_prefetch = 0 : i64, scratch_operands = 8 : i64, tpu.core_type = #tpu.core_type<sc_vector_subcore>, window_params = [{transform_indices = #map}, {transform_indices = #map}, {transform_indices = #map}]} {
    %mul3A = arith.constant 2 : i32
    %mul3A_0 = arith.muli %arg1, %mul3A : i32
    %add3A = arith.addi %mul3A_0, %arg0 : i32
    %mul3A_1 = arith.constant 200 : i32
    %mul3A_2 = arith.muli %add3A, %mul3A_1 : i32
    %mul3A_3 = arith.constant 25600 : i32
    %mul3A_4 = arith.muli %add3A, %mul3A_3 : i32
    %dma_start3A = arith.constant 0 : i32
    %dma_start3A_5 = arith.constant 0 : i32
    %dma_start3A_6 = arith.constant 0 : i32
    %dma_start3A_7 = tpu.memref_slice %arg5[%dma_start3A, %dma_start3A_5, %dma_start3A_6] : memref<2x4x128xi32, #tpu.memory_space<vmem>> -> memref<1x4x128xi32, #tpu.memory_space<vmem>>
    %dma_start3A_8 = tpu.memref_squeeze %dma_start3A_7 : memref<1x4x128xi32, #tpu.memory_space<vmem>> -> memref<4x128xi32, #tpu.memory_space<vmem>>
    %dma_start3A_9 = arith.constant 0 : i32
    %dma_start3A_10 = tpu.memref_slice %arg2[%mul3A_2, %dma_start3A_9] : memref<6400x128xi32, #tpu.memory_space<hbm>> -> memref<4x128xi32, #tpu.memory_space<hbm>>
    %dma_start3A_11 = arith.constant 0 : i32
    %dma_start3A_12 = arith.constant 0 : i32
    %dma_start3A_13 = tpu.memref_slice %arg5[%dma_start3A, %dma_start3A_11, %dma_start3A_12] : memref<2x4x128xi32, #tpu.memory_space<vmem>> -> memref<1x4x128xi32, #tpu.memory_space<vmem>>
    %dma_start3A_14 = tpu.memref_squeeze %dma_start3A_13 : memref<1x4x128xi32, #tpu.memory_space<vmem>> -> memref<4x128xi32, #tpu.memory_space<vmem>>
    %dma_start3A_15 = arith.constant 0 : i32
    %dma_start3A_16 = tpu.memref_slice %arg2[%mul3A_2, %dma_start3A_15] : memref<6400x128xi32, #tpu.memory_space<hbm>> -> memref<4x128xi32, #tpu.memory_space<hbm>>
    tpu.enqueue_dma source(%dma_start3A_16 : memref<4x128xi32, #tpu.memory_space<hbm>>) target(%dma_start3A_14 : memref<4x128xi32, #tpu.memory_space<vmem>>) target_semaphore(%arg8 : memref<!tpu.dma_semaphore, #tpu.memory_space<semaphore_mem>>)
    %scan3A = arith.constant 0 : i32
    %scan3A_17 = arith.constant 0 : i32
    %scan3A_18 = arith.constant 25 : i32
    %scan3A_19 = arith.addi %scan3A_17, %scan3A_18 : i32
    %scan3A_20 = arith.constant 1 : i32
    %scan3A_21 = scf.for %scan3A_34 = %scan3A_17 to %scan3A_19 step %scan3A_20 iter_args(%scan3A_35 = %scan3A) -> (i32)  : i32 {
      %mul3A_36 = arith.constant 2 : i32
      %mul3A_37 = arith.muli %scan3A_34, %mul3A_36 : i32
      %add3A_38 = arith.constant 0 : i32
      %add3A_39 = arith.addi %mul3A_37, %add3A_38 : i32
      %dma_wait3A_40 = arith.constant 0 : i32
      %dma_wait3A_41 = arith.constant 0 : i32
      %dma_wait3A_42 = arith.constant 0 : i32
      %dma_wait3A_43 = tpu.memref_slice %arg5[%dma_wait3A_40, %dma_wait3A_41, %dma_wait3A_42] : memref<2x4x128xi32, #tpu.memory_space<vmem>> -> memref<1x4x128xi32, #tpu.memory_space<vmem>>
      %dma_wait3A_44 = tpu.memref_squeeze %dma_wait3A_43 : memref<1x4x128xi32, #tpu.memory_space<vmem>> -> memref<4x128xi32, #tpu.memory_space<vmem>>
      %dma_wait3A_45 = arith.constant 0 : i32
      %dma_wait3A_46 = arith.constant 0 : i32
      %dma_wait3A_47 = tpu.memref_slice %arg2[%dma_wait3A_45, %dma_wait3A_46] : memref<6400x128xi32, #tpu.memory_space<hbm>> -> memref<4x128xi32, #tpu.memory_space<hbm>>
      %dma_wait3A_48 = arith.constant 0 : i32
      %dma_wait3A_49 = arith.constant 0 : i32
      %dma_wait3A_50 = tpu.memref_slice %arg5[%dma_wait3A_40, %dma_wait3A_48, %dma_wait3A_49] : memref<2x4x128xi32, #tpu.memory_space<vmem>> -> memref<1x4x128xi32, #tpu.memory_space<vmem>>
      %dma_wait3A_51 = tpu.memref_squeeze %dma_wait3A_50 : memref<1x4x128xi32, #tpu.memory_space<vmem>> -> memref<4x128xi32, #tpu.memory_space<vmem>>
      %dma_wait3A_52 = arith.constant 0 : i32
      %dma_wait3A_53 = arith.constant 0 : i32
      %dma_wait3A_54 = tpu.memref_slice %arg2[%dma_wait3A_52, %dma_wait3A_53] : memref<6400x128xi32, #tpu.memory_space<hbm>> -> memref<4x128xi32, #tpu.memory_space<hbm>>
      tpu.wait_dma2 semaphore(%arg8 : memref<!tpu.dma_semaphore, #tpu.memory_space<semaphore_mem>>) src(%dma_wait3A_54 : memref<4x128xi32, #tpu.memory_space<hbm>>) dst(%dma_wait3A_51 : memref<4x128xi32, #tpu.memory_space<vmem>>)
      %ge3A = arith.constant 2 : i32
      %ge3A_55 = arith.cmpi sge, %add3A_39, %ge3A : i32
      %convert_element_type3A = arith.extui %ge3A_55 : i1 to i32
      %cond3A = arith.constant 0 : i32
      %cond3A_56 = arith.cmpi ne, %convert_element_type3A, %cond3A : i32
      scf.if %cond3A_56 {
        %dma_wait3A_349 = arith.constant 0 : i32
        %dma_wait3A_350 = arith.constant 0 : i32
        %dma_wait3A_351 = tpu.memref_slice %arg4[%dma_wait3A_349, %dma_wait3A_350] : memref<819200x64xf32, #tpu.memory_space<hbm>> -> memref<512x64xf32, #tpu.memory_space<hbm>>
        %dma_wait3A_352 = arith.constant 0 : i32
        %dma_wait3A_353 = arith.constant 0 : i32
        %dma_wait3A_354 = tpu.memref_slice %arg4[%dma_wait3A_352, %dma_wait3A_353] : memref<819200x64xf32, #tpu.memory_space<hbm>> -> memref<512x64xf32, #tpu.memory_space<hbm>>
        tpu.wait_dma2 semaphore(%arg11 : memref<!tpu.dma_semaphore, #tpu.memory_space<semaphore_mem>>) src(%dma_wait3A_354 : memref<512x64xf32, #tpu.memory_space<hbm>>) dst(%arg6 : memref<512x64xf32, #tpu.memory_space<vmem>>)
      } else {
      }
      %dma_start3A_57 = arith.constant 0 : i32
      %dma_start3A_58 = arith.constant 0 : i32
      %dma_start3A_59 = arith.constant 0 : i32
      %dma_start3A_60 = arith.constant 0 : i32
      %dma_start3A_61 = tpu.memref_slice %arg6[%dma_start3A_59, %dma_start3A_60] : memref<512x64xf32, #tpu.memory_space<vmem>> -> memref<128x64xf32, #tpu.memory_space<vmem>>
      %dma_start3A_62 = arith.constant 0 : i32
      %dma_start3A_63 = arith.constant 0 : i32
      %dma_start3A_64 = tpu.memref_slice %arg5[%dma_start3A_57, %dma_start3A_62, %dma_start3A_63] : memref<2x4x128xi32, #tpu.memory_space<vmem>> -> memref<1x4x128xi32, #tpu.memory_space<vmem>>
      %dma_start3A_65 = tpu.memref_squeeze %dma_start3A_64 : memref<1x4x128xi32, #tpu.memory_space<vmem>> -> memref<4x128xi32, #tpu.memory_space<vmem>>
      %dma_start3A_66 = arith.constant 0 : i32
      %dma_start3A_67 = tpu.memref_slice %dma_start3A_65[%dma_start3A_58, %dma_start3A_66] : memref<4x128xi32, #tpu.memory_space<vmem>> -> memref<1x128xi32, #tpu.memory_space<vmem>>
      %dma_start3A_68 = tpu.memref_squeeze %dma_start3A_67 : memref<1x128xi32, #tpu.memory_space<vmem>> -> memref<128xi32, #tpu.memory_space<vmem>>
      %dma_start3A_69 = arith.constant 0 : i32
      %dma_start3A_70 = arith.constant 0 : i32
      %dma_start3A_71 = tpu.memref_slice %arg3[%dma_start3A_69, %dma_start3A_70] : memref<1000000x64xf32, #tpu.memory_space<hbm>> -> memref<1000000x64xf32, #tpu.memory_space<hbm>>
      tpu.enqueue_indirect_dma source(%dma_start3A_71 : memref<1000000x64xf32, #tpu.memory_space<hbm>>) target(%dma_start3A_61 : memref<128x64xf32, #tpu.memory_space<vmem>>) offsets(%dma_start3A_68 : memref<128xi32, #tpu.memory_space<vmem>>) semaphore(%arg9 : memref<!tpu.dma_semaphore, #tpu.memory_space<semaphore_mem>>)
      %dma_start3A_72 = arith.constant 0 : i32
      %dma_start3A_73 = arith.constant 1 : i32
      %dma_start3A_74 = arith.constant 128 : i32
      %dma_start3A_75 = arith.constant 0 : i32
      %dma_start3A_76 = tpu.memref_slice %arg6[%dma_start3A_74, %dma_start3A_75] : memref<512x64xf32, #tpu.memory_space<vmem>> -> memref<128x64xf32, #tpu.memory_space<vmem>>
      %dma_start3A_77 = arith.constant 0 : i32
      %dma_start3A_78 = arith.constant 0 : i32
      %dma_start3A_79 = tpu.memref_slice %arg5[%dma_start3A_72, %dma_start3A_77, %dma_start3A_78] : memref<2x4x128xi32, #tpu.memory_space<vmem>> -> memref<1x4x128xi32, #tpu.memory_space<vmem>>
      %dma_start3A_80 = tpu.memref_squeeze %dma_start3A_79 : memref<1x4x128xi32, #tpu.memory_space<vmem>> -> memref<4x128xi32, #tpu.memory_space<vmem>>
      %dma_start3A_81 = arith.constant 0 : i32
      %dma_start3A_82 = tpu.memref_slice %dma_start3A_80[%dma_start3A_73, %dma_start3A_81] : memref<4x128xi32, #tpu.memory_space<vmem>> -> memref<1x128xi32, #tpu.memory_space<vmem>>
      %dma_start3A_83 = tpu.memref_squeeze %dma_start3A_82 : memref<1x128xi32, #tpu.memory_space<vmem>> -> memref<128xi32, #tpu.memory_space<vmem>>
      %dma_start3A_84 = arith.constant 0 : i32
      %dma_start3A_85 = arith.constant 0 : i32
      %dma_start3A_86 = tpu.memref_slice %arg3[%dma_start3A_84, %dma_start3A_85] : memref<1000000x64xf32, #tpu.memory_space<hbm>> -> memref<1000000x64xf32, #tpu.memory_space<hbm>>
      tpu.enqueue_indirect_dma source(%dma_start3A_86 : memref<1000000x64xf32, #tpu.memory_space<hbm>>) target(%dma_start3A_76 : memref<128x64xf32, #tpu.memory_space<vmem>>) offsets(%dma_start3A_83 : memref<128xi32, #tpu.memory_space<vmem>>) semaphore(%arg9 : memref<!tpu.dma_semaphore, #tpu.memory_space<semaphore_mem>>)
      %dma_start3A_87 = arith.constant 0 : i32
      %dma_start3A_88 = arith.constant 2 : i32
      %dma_start3A_89 = arith.constant 256 : i32
      %dma_start3A_90 = arith.constant 0 : i32
      %dma_start3A_91 = tpu.memref_slice %arg6[%dma_start3A_89, %dma_start3A_90] : memref<512x64xf32, #tpu.memory_space<vmem>> -> memref<128x64xf32, #tpu.memory_space<vmem>>
      %dma_start3A_92 = arith.constant 0 : i32
      %dma_start3A_93 = arith.constant 0 : i32
      %dma_start3A_94 = tpu.memref_slice %arg5[%dma_start3A_87, %dma_start3A_92, %dma_start3A_93] : memref<2x4x128xi32, #tpu.memory_space<vmem>> -> memref<1x4x128xi32, #tpu.memory_space<vmem>>
      %dma_start3A_95 = tpu.memref_squeeze %dma_start3A_94 : memref<1x4x128xi32, #tpu.memory_space<vmem>> -> memref<4x128xi32, #tpu.memory_space<vmem>>
      %dma_start3A_96 = arith.constant 0 : i32
      %dma_start3A_97 = tpu.memref_slice %dma_start3A_95[%dma_start3A_88, %dma_start3A_96] : memref<4x128xi32, #tpu.memory_space<vmem>> -> memref<1x128xi32, #tpu.memory_space<vmem>>
      %dma_start3A_98 = tpu.memref_squeeze %dma_start3A_97 : memref<1x128xi32, #tpu.memory_space<vmem>> -> memref<128xi32, #tpu.memory_space<vmem>>
      %dma_start3A_99 = arith.constant 0 : i32
      %dma_start3A_100 = arith.constant 0 : i32
      %dma_start3A_101 = tpu.memref_slice %arg3[%dma_start3A_99, %dma_start3A_100] : memref<1000000x64xf32, #tpu.memory_space<hbm>> -> memref<1000000x64xf32, #tpu.memory_space<hbm>>
      tpu.enqueue_indirect_dma source(%dma_start3A_101 : memref<1000000x64xf32, #tpu.memory_space<hbm>>) target(%dma_start3A_91 : memref<128x64xf32, #tpu.memory_space<vmem>>) offsets(%dma_start3A_98 : memref<128xi32, #tpu.memory_space<vmem>>) semaphore(%arg9 : memref<!tpu.dma_semaphore, #tpu.memory_space<semaphore_mem>>)
      %dma_start3A_102 = arith.constant 0 : i32
      %dma_start3A_103 = arith.constant 3 : i32
      %dma_start3A_104 = arith.constant 384 : i32
      %dma_start3A_105 = arith.constant 0 : i32
      %dma_start3A_106 = tpu.memref_slice %arg6[%dma_start3A_104, %dma_start3A_105] : memref<512x64xf32, #tpu.memory_space<vmem>> -> memref<128x64xf32, #tpu.memory_space<vmem>>
      %dma_start3A_107 = arith.constant 0 : i32
      %dma_start3A_108 = arith.constant 0 : i32
      %dma_start3A_109 = tpu.memref_slice %arg5[%dma_start3A_102, %dma_start3A_107, %dma_start3A_108] : memref<2x4x128xi32, #tpu.memory_space<vmem>> -> memref<1x4x128xi32, #tpu.memory_space<vmem>>
      %dma_start3A_110 = tpu.memref_squeeze %dma_start3A_109 : memref<1x4x128xi32, #tpu.memory_space<vmem>> -> memref<4x128xi32, #tpu.memory_space<vmem>>
      %dma_start3A_111 = arith.constant 0 : i32
      %dma_start3A_112 = tpu.memref_slice %dma_start3A_110[%dma_start3A_103, %dma_start3A_111] : memref<4x128xi32, #tpu.memory_space<vmem>> -> memref<1x128xi32, #tpu.memory_space<vmem>>
      %dma_start3A_113 = tpu.memref_squeeze %dma_start3A_112 : memref<1x128xi32, #tpu.memory_space<vmem>> -> memref<128xi32, #tpu.memory_space<vmem>>
      %dma_start3A_114 = arith.constant 0 : i32
      %dma_start3A_115 = arith.constant 0 : i32
      %dma_start3A_116 = tpu.memref_slice %arg3[%dma_start3A_114, %dma_start3A_115] : memref<1000000x64xf32, #tpu.memory_space<hbm>> -> memref<1000000x64xf32, #tpu.memory_space<hbm>>
      tpu.enqueue_indirect_dma source(%dma_start3A_116 : memref<1000000x64xf32, #tpu.memory_space<hbm>>) target(%dma_start3A_106 : memref<128x64xf32, #tpu.memory_space<vmem>>) offsets(%dma_start3A_113 : memref<128xi32, #tpu.memory_space<vmem>>) semaphore(%arg9 : memref<!tpu.dma_semaphore, #tpu.memory_space<semaphore_mem>>)
      %add3A_117 = arith.constant 1 : i32
      %add3A_118 = arith.addi %add3A_39, %add3A_117 : i32
      %lt3A = arith.constant 50 : i32
      %lt3A_119 = arith.cmpi slt, %add3A_118, %lt3A : i32
      %convert_element_type3A_120 = arith.extui %lt3A_119 : i1 to i32
      %cond3A_121 = arith.constant 0 : i32
      %cond3A_122 = arith.cmpi ne, %convert_element_type3A_120, %cond3A_121 : i32
      scf.if %cond3A_122 {
        %add3A_349 = arith.constant 1 : i32
        %add3A_350 = arith.addi %add3A_39, %add3A_349 : i32
        %mul3A_351 = arith.constant 4 : i32
        %mul3A_352 = arith.muli %add3A_350, %mul3A_351 : i32
        %add3A_353 = arith.addi %mul3A_2, %mul3A_352 : i32
        %dma_start3A_354 = arith.constant 1 : i32
        %dma_start3A_355 = arith.constant 0 : i32
        %dma_start3A_356 = arith.constant 0 : i32
        %dma_start3A_357 = tpu.memref_slice %arg5[%dma_start3A_354, %dma_start3A_355, %dma_start3A_356] : memref<2x4x128xi32, #tpu.memory_space<vmem>> -> memref<1x4x128xi32, #tpu.memory_space<vmem>>
        %dma_start3A_358 = tpu.memref_squeeze %dma_start3A_357 : memref<1x4x128xi32, #tpu.memory_space<vmem>> -> memref<4x128xi32, #tpu.memory_space<vmem>>
        %dma_start3A_359 = arith.constant 0 : i32
        %dma_start3A_360 = tpu.memref_slice %arg2[%add3A_353, %dma_start3A_359] : memref<6400x128xi32, #tpu.memory_space<hbm>> -> memref<4x128xi32, #tpu.memory_space<hbm>>
        %dma_start3A_361 = arith.constant 0 : i32
        %dma_start3A_362 = arith.constant 0 : i32
        %dma_start3A_363 = tpu.memref_slice %arg5[%dma_start3A_354, %dma_start3A_361, %dma_start3A_362] : memref<2x4x128xi32, #tpu.memory_space<vmem>> -> memref<1x4x128xi32, #tpu.memory_space<vmem>>
        %dma_start3A_364 = tpu.memref_squeeze %dma_start3A_363 : memref<1x4x128xi32, #tpu.memory_space<vmem>> -> memref<4x128xi32, #tpu.memory_space<vmem>>
        %dma_start3A_365 = arith.constant 0 : i32
        %dma_start3A_366 = tpu.memref_slice %arg2[%add3A_353, %dma_start3A_365] : memref<6400x128xi32, #tpu.memory_space<hbm>> -> memref<4x128xi32, #tpu.memory_space<hbm>>
        tpu.enqueue_dma source(%dma_start3A_366 : memref<4x128xi32, #tpu.memory_space<hbm>>) target(%dma_start3A_364 : memref<4x128xi32, #tpu.memory_space<vmem>>) target_semaphore(%arg8 : memref<!tpu.dma_semaphore, #tpu.memory_space<semaphore_mem>>)
      } else {
      }
      %dma_wait3A_123 = arith.constant 0 : i32
      %dma_wait3A_124 = arith.constant 0 : i32
      %dma_wait3A_125 = arith.constant 0 : i32
      %dma_wait3A_126 = arith.constant 0 : i32
      %dma_wait3A_127 = tpu.memref_slice %arg6[%dma_wait3A_125, %dma_wait3A_126] : memref<512x64xf32, #tpu.memory_space<vmem>> -> memref<128x64xf32, #tpu.memory_space<vmem>>
      %dma_wait3A_128 = arith.constant 0 : i32
      %dma_wait3A_129 = arith.constant 0 : i32
      %dma_wait3A_130 = tpu.memref_slice %arg5[%dma_wait3A_123, %dma_wait3A_128, %dma_wait3A_129] : memref<2x4x128xi32, #tpu.memory_space<vmem>> -> memref<1x4x128xi32, #tpu.memory_space<vmem>>
      %dma_wait3A_131 = tpu.memref_squeeze %dma_wait3A_130 : memref<1x4x128xi32, #tpu.memory_space<vmem>> -> memref<4x128xi32, #tpu.memory_space<vmem>>
      %dma_wait3A_132 = arith.constant 0 : i32
      %dma_wait3A_133 = tpu.memref_slice %dma_wait3A_131[%dma_wait3A_124, %dma_wait3A_132] : memref<4x128xi32, #tpu.memory_space<vmem>> -> memref<1x128xi32, #tpu.memory_space<vmem>>
      %dma_wait3A_134 = tpu.memref_squeeze %dma_wait3A_133 : memref<1x128xi32, #tpu.memory_space<vmem>> -> memref<128xi32, #tpu.memory_space<vmem>>
      %dma_wait3A_135 = arith.constant 0 : i32
      %dma_wait3A_136 = arith.constant 0 : i32
      %dma_wait3A_137 = tpu.memref_slice %arg3[%dma_wait3A_135, %dma_wait3A_136] : memref<1000000x64xf32, #tpu.memory_space<hbm>> -> memref<1000000x64xf32, #tpu.memory_space<hbm>>
      tpu.wait_indirect_dma semaphore(%arg9 : memref<!tpu.dma_semaphore, #tpu.memory_space<semaphore_mem>>) src(%dma_wait3A_137 : memref<1000000x64xf32, #tpu.memory_space<hbm>>) dst(%dma_wait3A_127 : memref<128x64xf32, #tpu.memory_space<vmem>>)
      %dma_wait3A_138 = arith.constant 0 : i32
      %dma_wait3A_139 = arith.constant 1 : i32
      %dma_wait3A_140 = arith.constant 128 : i32
      %dma_wait3A_141 = arith.constant 0 : i32
      %dma_wait3A_142 = tpu.memref_slice %arg6[%dma_wait3A_140, %dma_wait3A_141] : memref<512x64xf32, #tpu.memory_space<vmem>> -> memref<128x64xf32, #tpu.memory_space<vmem>>
      %dma_wait3A_143 = arith.constant 0 : i32
      %dma_wait3A_144 = arith.constant 0 : i32
      %dma_wait3A_145 = tpu.memref_slice %arg5[%dma_wait3A_138, %dma_wait3A_143, %dma_wait3A_144] : memref<2x4x128xi32, #tpu.memory_space<vmem>> -> memref<1x4x128xi32, #tpu.memory_space<vmem>>
      %dma_wait3A_146 = tpu.memref_squeeze %dma_wait3A_145 : memref<1x4x128xi32, #tpu.memory_space<vmem>> -> memref<4x128xi32, #tpu.memory_space<vmem>>
      %dma_wait3A_147 = arith.constant 0 : i32
      %dma_wait3A_148 = tpu.memref_slice %dma_wait3A_146[%dma_wait3A_139, %dma_wait3A_147] : memref<4x128xi32, #tpu.memory_space<vmem>> -> memref<1x128xi32, #tpu.memory_space<vmem>>
      %dma_wait3A_149 = tpu.memref_squeeze %dma_wait3A_148 : memref<1x128xi32, #tpu.memory_space<vmem>> -> memref<128xi32, #tpu.memory_space<vmem>>
      %dma_wait3A_150 = arith.constant 0 : i32
      %dma_wait3A_151 = arith.constant 0 : i32
      %dma_wait3A_152 = tpu.memref_slice %arg3[%dma_wait3A_150, %dma_wait3A_151] : memref<1000000x64xf32, #tpu.memory_space<hbm>> -> memref<1000000x64xf32, #tpu.memory_space<hbm>>
      tpu.wait_indirect_dma semaphore(%arg9 : memref<!tpu.dma_semaphore, #tpu.memory_space<semaphore_mem>>) src(%dma_wait3A_152 : memref<1000000x64xf32, #tpu.memory_space<hbm>>) dst(%dma_wait3A_142 : memref<128x64xf32, #tpu.memory_space<vmem>>)
      %dma_wait3A_153 = arith.constant 0 : i32
      %dma_wait3A_154 = arith.constant 2 : i32
      %dma_wait3A_155 = arith.constant 256 : i32
      %dma_wait3A_156 = arith.constant 0 : i32
      %dma_wait3A_157 = tpu.memref_slice %arg6[%dma_wait3A_155, %dma_wait3A_156] : memref<512x64xf32, #tpu.memory_space<vmem>> -> memref<128x64xf32, #tpu.memory_space<vmem>>
      %dma_wait3A_158 = arith.constant 0 : i32
      %dma_wait3A_159 = arith.constant 0 : i32
      %dma_wait3A_160 = tpu.memref_slice %arg5[%dma_wait3A_153, %dma_wait3A_158, %dma_wait3A_159] : memref<2x4x128xi32, #tpu.memory_space<vmem>> -> memref<1x4x128xi32, #tpu.memory_space<vmem>>
      %dma_wait3A_161 = tpu.memref_squeeze %dma_wait3A_160 : memref<1x4x128xi32, #tpu.memory_space<vmem>> -> memref<4x128xi32, #tpu.memory_space<vmem>>
      %dma_wait3A_162 = arith.constant 0 : i32
      %dma_wait3A_163 = tpu.memref_slice %dma_wait3A_161[%dma_wait3A_154, %dma_wait3A_162] : memref<4x128xi32, #tpu.memory_space<vmem>> -> memref<1x128xi32, #tpu.memory_space<vmem>>
      %dma_wait3A_164 = tpu.memref_squeeze %dma_wait3A_163 : memref<1x128xi32, #tpu.memory_space<vmem>> -> memref<128xi32, #tpu.memory_space<vmem>>
      %dma_wait3A_165 = arith.constant 0 : i32
      %dma_wait3A_166 = arith.constant 0 : i32
      %dma_wait3A_167 = tpu.memref_slice %arg3[%dma_wait3A_165, %dma_wait3A_166] : memref<1000000x64xf32, #tpu.memory_space<hbm>> -> memref<1000000x64xf32, #tpu.memory_space<hbm>>
      tpu.wait_indirect_dma semaphore(%arg9 : memref<!tpu.dma_semaphore, #tpu.memory_space<semaphore_mem>>) src(%dma_wait3A_167 : memref<1000000x64xf32, #tpu.memory_space<hbm>>) dst(%dma_wait3A_157 : memref<128x64xf32, #tpu.memory_space<vmem>>)
      %dma_wait3A_168 = arith.constant 0 : i32
      %dma_wait3A_169 = arith.constant 3 : i32
      %dma_wait3A_170 = arith.constant 384 : i32
      %dma_wait3A_171 = arith.constant 0 : i32
      %dma_wait3A_172 = tpu.memref_slice %arg6[%dma_wait3A_170, %dma_wait3A_171] : memref<512x64xf32, #tpu.memory_space<vmem>> -> memref<128x64xf32, #tpu.memory_space<vmem>>
      %dma_wait3A_173 = arith.constant 0 : i32
      %dma_wait3A_174 = arith.constant 0 : i32
      %dma_wait3A_175 = tpu.memref_slice %arg5[%dma_wait3A_168, %dma_wait3A_173, %dma_wait3A_174] : memref<2x4x128xi32, #tpu.memory_space<vmem>> -> memref<1x4x128xi32, #tpu.memory_space<vmem>>
      %dma_wait3A_176 = tpu.memref_squeeze %dma_wait3A_175 : memref<1x4x128xi32, #tpu.memory_space<vmem>> -> memref<4x128xi32, #tpu.memory_space<vmem>>
      %dma_wait3A_177 = arith.constant 0 : i32
      %dma_wait3A_178 = tpu.memref_slice %dma_wait3A_176[%dma_wait3A_169, %dma_wait3A_177] : memref<4x128xi32, #tpu.memory_space<vmem>> -> memref<1x128xi32, #tpu.memory_space<vmem>>
      %dma_wait3A_179 = tpu.memref_squeeze %dma_wait3A_178 : memref<1x128xi32, #tpu.memory_space<vmem>> -> memref<128xi32, #tpu.memory_space<vmem>>
      %dma_wait3A_180 = arith.constant 0 : i32
      %dma_wait3A_181 = arith.constant 0 : i32
      %dma_wait3A_182 = tpu.memref_slice %arg3[%dma_wait3A_180, %dma_wait3A_181] : memref<1000000x64xf32, #tpu.memory_space<hbm>> -> memref<1000000x64xf32, #tpu.memory_space<hbm>>
      tpu.wait_indirect_dma semaphore(%arg9 : memref<!tpu.dma_semaphore, #tpu.memory_space<semaphore_mem>>) src(%dma_wait3A_182 : memref<1000000x64xf32, #tpu.memory_space<hbm>>) dst(%dma_wait3A_172 : memref<128x64xf32, #tpu.memory_space<vmem>>)
      %mul3A_183 = arith.constant 512 : i32
      %mul3A_184 = arith.muli %add3A_39, %mul3A_183 : i32
      %add3A_185 = arith.addi %mul3A_4, %mul3A_184 : i32
      %dma_start3A_186 = arith.constant 0 : i32
      %dma_start3A_187 = tpu.memref_slice %arg4[%add3A_185, %dma_start3A_186] : memref<819200x64xf32, #tpu.memory_space<hbm>> -> memref<512x64xf32, #tpu.memory_space<hbm>>
      %dma_start3A_188 = arith.constant 0 : i32
      %dma_start3A_189 = tpu.memref_slice %arg4[%add3A_185, %dma_start3A_188] : memref<819200x64xf32, #tpu.memory_space<hbm>> -> memref<512x64xf32, #tpu.memory_space<hbm>>
      tpu.enqueue_dma source(%arg6 : memref<512x64xf32, #tpu.memory_space<vmem>>) target(%dma_start3A_189 : memref<512x64xf32, #tpu.memory_space<hbm>>) target_semaphore(%arg11 : memref<!tpu.dma_semaphore, #tpu.memory_space<semaphore_mem>>)
      %mul3A_190 = arith.constant 2 : i32
      %mul3A_191 = arith.muli %scan3A_34, %mul3A_190 : i32
      %add3A_192 = arith.constant 1 : i32
      %add3A_193 = arith.addi %mul3A_191, %add3A_192 : i32
      %dma_wait3A_194 = arith.constant 1 : i32
      %dma_wait3A_195 = arith.constant 0 : i32
      %dma_wait3A_196 = arith.constant 0 : i32
      %dma_wait3A_197 = tpu.memref_slice %arg5[%dma_wait3A_194, %dma_wait3A_195, %dma_wait3A_196] : memref<2x4x128xi32, #tpu.memory_space<vmem>> -> memref<1x4x128xi32, #tpu.memory_space<vmem>>
      %dma_wait3A_198 = tpu.memref_squeeze %dma_wait3A_197 : memref<1x4x128xi32, #tpu.memory_space<vmem>> -> memref<4x128xi32, #tpu.memory_space<vmem>>
      %dma_wait3A_199 = arith.constant 0 : i32
      %dma_wait3A_200 = arith.constant 0 : i32
      %dma_wait3A_201 = tpu.memref_slice %arg2[%dma_wait3A_199, %dma_wait3A_200] : memref<6400x128xi32, #tpu.memory_space<hbm>> -> memref<4x128xi32, #tpu.memory_space<hbm>>
      %dma_wait3A_202 = arith.constant 0 : i32
      %dma_wait3A_203 = arith.constant 0 : i32
      %dma_wait3A_204 = tpu.memref_slice %arg5[%dma_wait3A_194, %dma_wait3A_202, %dma_wait3A_203] : memref<2x4x128xi32, #tpu.memory_space<vmem>> -> memref<1x4x128xi32, #tpu.memory_space<vmem>>
      %dma_wait3A_205 = tpu.memref_squeeze %dma_wait3A_204 : memref<1x4x128xi32, #tpu.memory_space<vmem>> -> memref<4x128xi32, #tpu.memory_space<vmem>>
      %dma_wait3A_206 = arith.constant 0 : i32
      %dma_wait3A_207 = arith.constant 0 : i32
      %dma_wait3A_208 = tpu.memref_slice %arg2[%dma_wait3A_206, %dma_wait3A_207] : memref<6400x128xi32, #tpu.memory_space<hbm>> -> memref<4x128xi32, #tpu.memory_space<hbm>>
      tpu.wait_dma2 semaphore(%arg8 : memref<!tpu.dma_semaphore, #tpu.memory_space<semaphore_mem>>) src(%dma_wait3A_208 : memref<4x128xi32, #tpu.memory_space<hbm>>) dst(%dma_wait3A_205 : memref<4x128xi32, #tpu.memory_space<vmem>>)
      %ge3A_209 = arith.constant 2 : i32
      %ge3A_210 = arith.cmpi sge, %add3A_193, %ge3A_209 : i32
      %convert_element_type3A_211 = arith.extui %ge3A_210 : i1 to i32
      %cond3A_212 = arith.constant 0 : i32
      %cond3A_213 = arith.cmpi ne, %convert_element_type3A_211, %cond3A_212 : i32
      scf.if %cond3A_213 {
        %dma_wait3A_349 = arith.constant 0 : i32
        %dma_wait3A_350 = arith.constant 0 : i32
        %dma_wait3A_351 = tpu.memref_slice %arg4[%dma_wait3A_349, %dma_wait3A_350] : memref<819200x64xf32, #tpu.memory_space<hbm>> -> memref<512x64xf32, #tpu.memory_space<hbm>>
        %dma_wait3A_352 = arith.constant 0 : i32
        %dma_wait3A_353 = arith.constant 0 : i32
        %dma_wait3A_354 = tpu.memref_slice %arg4[%dma_wait3A_352, %dma_wait3A_353] : memref<819200x64xf32, #tpu.memory_space<hbm>> -> memref<512x64xf32, #tpu.memory_space<hbm>>
        tpu.wait_dma2 semaphore(%arg12 : memref<!tpu.dma_semaphore, #tpu.memory_space<semaphore_mem>>) src(%dma_wait3A_354 : memref<512x64xf32, #tpu.memory_space<hbm>>) dst(%arg7 : memref<512x64xf32, #tpu.memory_space<vmem>>)
      } else {
      }
      %dma_start3A_214 = arith.constant 1 : i32
      %dma_start3A_215 = arith.constant 0 : i32
      %dma_start3A_216 = arith.constant 0 : i32
      %dma_start3A_217 = arith.constant 0 : i32
      %dma_start3A_218 = tpu.memref_slice %arg7[%dma_start3A_216, %dma_start3A_217] : memref<512x64xf32, #tpu.memory_space<vmem>> -> memref<128x64xf32, #tpu.memory_space<vmem>>
      %dma_start3A_219 = arith.constant 0 : i32
      %dma_start3A_220 = arith.constant 0 : i32
      %dma_start3A_221 = tpu.memref_slice %arg5[%dma_start3A_214, %dma_start3A_219, %dma_start3A_220] : memref<2x4x128xi32, #tpu.memory_space<vmem>> -> memref<1x4x128xi32, #tpu.memory_space<vmem>>
      %dma_start3A_222 = tpu.memref_squeeze %dma_start3A_221 : memref<1x4x128xi32, #tpu.memory_space<vmem>> -> memref<4x128xi32, #tpu.memory_space<vmem>>
      %dma_start3A_223 = arith.constant 0 : i32
      %dma_start3A_224 = tpu.memref_slice %dma_start3A_222[%dma_start3A_215, %dma_start3A_223] : memref<4x128xi32, #tpu.memory_space<vmem>> -> memref<1x128xi32, #tpu.memory_space<vmem>>
      %dma_start3A_225 = tpu.memref_squeeze %dma_start3A_224 : memref<1x128xi32, #tpu.memory_space<vmem>> -> memref<128xi32, #tpu.memory_space<vmem>>
      %dma_start3A_226 = arith.constant 0 : i32
      %dma_start3A_227 = arith.constant 0 : i32
      %dma_start3A_228 = tpu.memref_slice %arg3[%dma_start3A_226, %dma_start3A_227] : memref<1000000x64xf32, #tpu.memory_space<hbm>> -> memref<1000000x64xf32, #tpu.memory_space<hbm>>
      tpu.enqueue_indirect_dma source(%dma_start3A_228 : memref<1000000x64xf32, #tpu.memory_space<hbm>>) target(%dma_start3A_218 : memref<128x64xf32, #tpu.memory_space<vmem>>) offsets(%dma_start3A_225 : memref<128xi32, #tpu.memory_space<vmem>>) semaphore(%arg10 : memref<!tpu.dma_semaphore, #tpu.memory_space<semaphore_mem>>)
      %dma_start3A_229 = arith.constant 1 : i32
      %dma_start3A_230 = arith.constant 1 : i32
      %dma_start3A_231 = arith.constant 128 : i32
      %dma_start3A_232 = arith.constant 0 : i32
      %dma_start3A_233 = tpu.memref_slice %arg7[%dma_start3A_231, %dma_start3A_232] : memref<512x64xf32, #tpu.memory_space<vmem>> -> memref<128x64xf32, #tpu.memory_space<vmem>>
      %dma_start3A_234 = arith.constant 0 : i32
      %dma_start3A_235 = arith.constant 0 : i32
      %dma_start3A_236 = tpu.memref_slice %arg5[%dma_start3A_229, %dma_start3A_234, %dma_start3A_235] : memref<2x4x128xi32, #tpu.memory_space<vmem>> -> memref<1x4x128xi32, #tpu.memory_space<vmem>>
      %dma_start3A_237 = tpu.memref_squeeze %dma_start3A_236 : memref<1x4x128xi32, #tpu.memory_space<vmem>> -> memref<4x128xi32, #tpu.memory_space<vmem>>
      %dma_start3A_238 = arith.constant 0 : i32
      %dma_start3A_239 = tpu.memref_slice %dma_start3A_237[%dma_start3A_230, %dma_start3A_238] : memref<4x128xi32, #tpu.memory_space<vmem>> -> memref<1x128xi32, #tpu.memory_space<vmem>>
      %dma_start3A_240 = tpu.memref_squeeze %dma_start3A_239 : memref<1x128xi32, #tpu.memory_space<vmem>> -> memref<128xi32, #tpu.memory_space<vmem>>
      %dma_start3A_241 = arith.constant 0 : i32
      %dma_start3A_242 = arith.constant 0 : i32
      %dma_start3A_243 = tpu.memref_slice %arg3[%dma_start3A_241, %dma_start3A_242] : memref<1000000x64xf32, #tpu.memory_space<hbm>> -> memref<1000000x64xf32, #tpu.memory_space<hbm>>
      tpu.enqueue_indirect_dma source(%dma_start3A_243 : memref<1000000x64xf32, #tpu.memory_space<hbm>>) target(%dma_start3A_233 : memref<128x64xf32, #tpu.memory_space<vmem>>) offsets(%dma_start3A_240 : memref<128xi32, #tpu.memory_space<vmem>>) semaphore(%arg10 : memref<!tpu.dma_semaphore, #tpu.memory_space<semaphore_mem>>)
      %dma_start3A_244 = arith.constant 1 : i32
      %dma_start3A_245 = arith.constant 2 : i32
      %dma_start3A_246 = arith.constant 256 : i32
      %dma_start3A_247 = arith.constant 0 : i32
      %dma_start3A_248 = tpu.memref_slice %arg7[%dma_start3A_246, %dma_start3A_247] : memref<512x64xf32, #tpu.memory_space<vmem>> -> memref<128x64xf32, #tpu.memory_space<vmem>>
      %dma_start3A_249 = arith.constant 0 : i32
      %dma_start3A_250 = arith.constant 0 : i32
      %dma_start3A_251 = tpu.memref_slice %arg5[%dma_start3A_244, %dma_start3A_249, %dma_start3A_250] : memref<2x4x128xi32, #tpu.memory_space<vmem>> -> memref<1x4x128xi32, #tpu.memory_space<vmem>>
      %dma_start3A_252 = tpu.memref_squeeze %dma_start3A_251 : memref<1x4x128xi32, #tpu.memory_space<vmem>> -> memref<4x128xi32, #tpu.memory_space<vmem>>
      %dma_start3A_253 = arith.constant 0 : i32
      %dma_start3A_254 = tpu.memref_slice %dma_start3A_252[%dma_start3A_245, %dma_start3A_253] : memref<4x128xi32, #tpu.memory_space<vmem>> -> memref<1x128xi32, #tpu.memory_space<vmem>>
      %dma_start3A_255 = tpu.memref_squeeze %dma_start3A_254 : memref<1x128xi32, #tpu.memory_space<vmem>> -> memref<128xi32, #tpu.memory_space<vmem>>
      %dma_start3A_256 = arith.constant 0 : i32
      %dma_start3A_257 = arith.constant 0 : i32
      %dma_start3A_258 = tpu.memref_slice %arg3[%dma_start3A_256, %dma_start3A_257] : memref<1000000x64xf32, #tpu.memory_space<hbm>> -> memref<1000000x64xf32, #tpu.memory_space<hbm>>
      tpu.enqueue_indirect_dma source(%dma_start3A_258 : memref<1000000x64xf32, #tpu.memory_space<hbm>>) target(%dma_start3A_248 : memref<128x64xf32, #tpu.memory_space<vmem>>) offsets(%dma_start3A_255 : memref<128xi32, #tpu.memory_space<vmem>>) semaphore(%arg10 : memref<!tpu.dma_semaphore, #tpu.memory_space<semaphore_mem>>)
      %dma_start3A_259 = arith.constant 1 : i32
      %dma_start3A_260 = arith.constant 3 : i32
      %dma_start3A_261 = arith.constant 384 : i32
      %dma_start3A_262 = arith.constant 0 : i32
      %dma_start3A_263 = tpu.memref_slice %arg7[%dma_start3A_261, %dma_start3A_262] : memref<512x64xf32, #tpu.memory_space<vmem>> -> memref<128x64xf32, #tpu.memory_space<vmem>>
      %dma_start3A_264 = arith.constant 0 : i32
      %dma_start3A_265 = arith.constant 0 : i32
      %dma_start3A_266 = tpu.memref_slice %arg5[%dma_start3A_259, %dma_start3A_264, %dma_start3A_265] : memref<2x4x128xi32, #tpu.memory_space<vmem>> -> memref<1x4x128xi32, #tpu.memory_space<vmem>>
      %dma_start3A_267 = tpu.memref_squeeze %dma_start3A_266 : memref<1x4x128xi32, #tpu.memory_space<vmem>> -> memref<4x128xi32, #tpu.memory_space<vmem>>
      %dma_start3A_268 = arith.constant 0 : i32
      %dma_start3A_269 = tpu.memref_slice %dma_start3A_267[%dma_start3A_260, %dma_start3A_268] : memref<4x128xi32, #tpu.memory_space<vmem>> -> memref<1x128xi32, #tpu.memory_space<vmem>>
      %dma_start3A_270 = tpu.memref_squeeze %dma_start3A_269 : memref<1x128xi32, #tpu.memory_space<vmem>> -> memref<128xi32, #tpu.memory_space<vmem>>
      %dma_start3A_271 = arith.constant 0 : i32
      %dma_start3A_272 = arith.constant 0 : i32
      %dma_start3A_273 = tpu.memref_slice %arg3[%dma_start3A_271, %dma_start3A_272] : memref<1000000x64xf32, #tpu.memory_space<hbm>> -> memref<1000000x64xf32, #tpu.memory_space<hbm>>
      tpu.enqueue_indirect_dma source(%dma_start3A_273 : memref<1000000x64xf32, #tpu.memory_space<hbm>>) target(%dma_start3A_263 : memref<128x64xf32, #tpu.memory_space<vmem>>) offsets(%dma_start3A_270 : memref<128xi32, #tpu.memory_space<vmem>>) semaphore(%arg10 : memref<!tpu.dma_semaphore, #tpu.memory_space<semaphore_mem>>)
      %add3A_274 = arith.constant 1 : i32
      %add3A_275 = arith.addi %add3A_193, %add3A_274 : i32
      %lt3A_276 = arith.constant 50 : i32
      %lt3A_277 = arith.cmpi slt, %add3A_275, %lt3A_276 : i32
      %convert_element_type3A_278 = arith.extui %lt3A_277 : i1 to i32
      %cond3A_279 = arith.constant 0 : i32
      %cond3A_280 = arith.cmpi ne, %convert_element_type3A_278, %cond3A_279 : i32
      scf.if %cond3A_280 {
        %add3A_349 = arith.constant 1 : i32
        %add3A_350 = arith.addi %add3A_193, %add3A_349 : i32
        %mul3A_351 = arith.constant 4 : i32
        %mul3A_352 = arith.muli %add3A_350, %mul3A_351 : i32
        %add3A_353 = arith.addi %mul3A_2, %mul3A_352 : i32
        %dma_start3A_354 = arith.constant 0 : i32
        %dma_start3A_355 = arith.constant 0 : i32
        %dma_start3A_356 = arith.constant 0 : i32
        %dma_start3A_357 = tpu.memref_slice %arg5[%dma_start3A_354, %dma_start3A_355, %dma_start3A_356] : memref<2x4x128xi32, #tpu.memory_space<vmem>> -> memref<1x4x128xi32, #tpu.memory_space<vmem>>
        %dma_start3A_358 = tpu.memref_squeeze %dma_start3A_357 : memref<1x4x128xi32, #tpu.memory_space<vmem>> -> memref<4x128xi32, #tpu.memory_space<vmem>>
        %dma_start3A_359 = arith.constant 0 : i32
        %dma_start3A_360 = tpu.memref_slice %arg2[%add3A_353, %dma_start3A_359] : memref<6400x128xi32, #tpu.memory_space<hbm>> -> memref<4x128xi32, #tpu.memory_space<hbm>>
        %dma_start3A_361 = arith.constant 0 : i32
        %dma_start3A_362 = arith.constant 0 : i32
        %dma_start3A_363 = tpu.memref_slice %arg5[%dma_start3A_354, %dma_start3A_361, %dma_start3A_362] : memref<2x4x128xi32, #tpu.memory_space<vmem>> -> memref<1x4x128xi32, #tpu.memory_space<vmem>>
        %dma_start3A_364 = tpu.memref_squeeze %dma_start3A_363 : memref<1x4x128xi32, #tpu.memory_space<vmem>> -> memref<4x128xi32, #tpu.memory_space<vmem>>
        %dma_start3A_365 = arith.constant 0 : i32
        %dma_start3A_366 = tpu.memref_slice %arg2[%add3A_353, %dma_start3A_365] : memref<6400x128xi32, #tpu.memory_space<hbm>> -> memref<4x128xi32, #tpu.memory_space<hbm>>
        tpu.enqueue_dma source(%dma_start3A_366 : memref<4x128xi32, #tpu.memory_space<hbm>>) target(%dma_start3A_364 : memref<4x128xi32, #tpu.memory_space<vmem>>) target_semaphore(%arg8 : memref<!tpu.dma_semaphore, #tpu.memory_space<semaphore_mem>>)
      } else {
      }
      %dma_wait3A_281 = arith.constant 1 : i32
      %dma_wait3A_282 = arith.constant 0 : i32
      %dma_wait3A_283 = arith.constant 0 : i32
      %dma_wait3A_284 = arith.constant 0 : i32
      %dma_wait3A_285 = tpu.memref_slice %arg7[%dma_wait3A_283, %dma_wait3A_284] : memref<512x64xf32, #tpu.memory_space<vmem>> -> memref<128x64xf32, #tpu.memory_space<vmem>>
      %dma_wait3A_286 = arith.constant 0 : i32
      %dma_wait3A_287 = arith.constant 0 : i32
      %dma_wait3A_288 = tpu.memref_slice %arg5[%dma_wait3A_281, %dma_wait3A_286, %dma_wait3A_287] : memref<2x4x128xi32, #tpu.memory_space<vmem>> -> memref<1x4x128xi32, #tpu.memory_space<vmem>>
      %dma_wait3A_289 = tpu.memref_squeeze %dma_wait3A_288 : memref<1x4x128xi32, #tpu.memory_space<vmem>> -> memref<4x128xi32, #tpu.memory_space<vmem>>
      %dma_wait3A_290 = arith.constant 0 : i32
      %dma_wait3A_291 = tpu.memref_slice %dma_wait3A_289[%dma_wait3A_282, %dma_wait3A_290] : memref<4x128xi32, #tpu.memory_space<vmem>> -> memref<1x128xi32, #tpu.memory_space<vmem>>
      %dma_wait3A_292 = tpu.memref_squeeze %dma_wait3A_291 : memref<1x128xi32, #tpu.memory_space<vmem>> -> memref<128xi32, #tpu.memory_space<vmem>>
      %dma_wait3A_293 = arith.constant 0 : i32
      %dma_wait3A_294 = arith.constant 0 : i32
      %dma_wait3A_295 = tpu.memref_slice %arg3[%dma_wait3A_293, %dma_wait3A_294] : memref<1000000x64xf32, #tpu.memory_space<hbm>> -> memref<1000000x64xf32, #tpu.memory_space<hbm>>
      tpu.wait_indirect_dma semaphore(%arg10 : memref<!tpu.dma_semaphore, #tpu.memory_space<semaphore_mem>>) src(%dma_wait3A_295 : memref<1000000x64xf32, #tpu.memory_space<hbm>>) dst(%dma_wait3A_285 : memref<128x64xf32, #tpu.memory_space<vmem>>)
      %dma_wait3A_296 = arith.constant 1 : i32
      %dma_wait3A_297 = arith.constant 1 : i32
      %dma_wait3A_298 = arith.constant 128 : i32
      %dma_wait3A_299 = arith.constant 0 : i32
      %dma_wait3A_300 = tpu.memref_slice %arg7[%dma_wait3A_298, %dma_wait3A_299] : memref<512x64xf32, #tpu.memory_space<vmem>> -> memref<128x64xf32, #tpu.memory_space<vmem>>
      %dma_wait3A_301 = arith.constant 0 : i32
      %dma_wait3A_302 = arith.constant 0 : i32
      %dma_wait3A_303 = tpu.memref_slice %arg5[%dma_wait3A_296, %dma_wait3A_301, %dma_wait3A_302] : memref<2x4x128xi32, #tpu.memory_space<vmem>> -> memref<1x4x128xi32, #tpu.memory_space<vmem>>
      %dma_wait3A_304 = tpu.memref_squeeze %dma_wait3A_303 : memref<1x4x128xi32, #tpu.memory_space<vmem>> -> memref<4x128xi32, #tpu.memory_space<vmem>>
      %dma_wait3A_305 = arith.constant 0 : i32
      %dma_wait3A_306 = tpu.memref_slice %dma_wait3A_304[%dma_wait3A_297, %dma_wait3A_305] : memref<4x128xi32, #tpu.memory_space<vmem>> -> memref<1x128xi32, #tpu.memory_space<vmem>>
      %dma_wait3A_307 = tpu.memref_squeeze %dma_wait3A_306 : memref<1x128xi32, #tpu.memory_space<vmem>> -> memref<128xi32, #tpu.memory_space<vmem>>
      %dma_wait3A_308 = arith.constant 0 : i32
      %dma_wait3A_309 = arith.constant 0 : i32
      %dma_wait3A_310 = tpu.memref_slice %arg3[%dma_wait3A_308, %dma_wait3A_309] : memref<1000000x64xf32, #tpu.memory_space<hbm>> -> memref<1000000x64xf32, #tpu.memory_space<hbm>>
      tpu.wait_indirect_dma semaphore(%arg10 : memref<!tpu.dma_semaphore, #tpu.memory_space<semaphore_mem>>) src(%dma_wait3A_310 : memref<1000000x64xf32, #tpu.memory_space<hbm>>) dst(%dma_wait3A_300 : memref<128x64xf32, #tpu.memory_space<vmem>>)
      %dma_wait3A_311 = arith.constant 1 : i32
      %dma_wait3A_312 = arith.constant 2 : i32
      %dma_wait3A_313 = arith.constant 256 : i32
      %dma_wait3A_314 = arith.constant 0 : i32
      %dma_wait3A_315 = tpu.memref_slice %arg7[%dma_wait3A_313, %dma_wait3A_314] : memref<512x64xf32, #tpu.memory_space<vmem>> -> memref<128x64xf32, #tpu.memory_space<vmem>>
      %dma_wait3A_316 = arith.constant 0 : i32
      %dma_wait3A_317 = arith.constant 0 : i32
      %dma_wait3A_318 = tpu.memref_slice %arg5[%dma_wait3A_311, %dma_wait3A_316, %dma_wait3A_317] : memref<2x4x128xi32, #tpu.memory_space<vmem>> -> memref<1x4x128xi32, #tpu.memory_space<vmem>>
      %dma_wait3A_319 = tpu.memref_squeeze %dma_wait3A_318 : memref<1x4x128xi32, #tpu.memory_space<vmem>> -> memref<4x128xi32, #tpu.memory_space<vmem>>
      %dma_wait3A_320 = arith.constant 0 : i32
      %dma_wait3A_321 = tpu.memref_slice %dma_wait3A_319[%dma_wait3A_312, %dma_wait3A_320] : memref<4x128xi32, #tpu.memory_space<vmem>> -> memref<1x128xi32, #tpu.memory_space<vmem>>
      %dma_wait3A_322 = tpu.memref_squeeze %dma_wait3A_321 : memref<1x128xi32, #tpu.memory_space<vmem>> -> memref<128xi32, #tpu.memory_space<vmem>>
      %dma_wait3A_323 = arith.constant 0 : i32
      %dma_wait3A_324 = arith.constant 0 : i32
      %dma_wait3A_325 = tpu.memref_slice %arg3[%dma_wait3A_323, %dma_wait3A_324] : memref<1000000x64xf32, #tpu.memory_space<hbm>> -> memref<1000000x64xf32, #tpu.memory_space<hbm>>
      tpu.wait_indirect_dma semaphore(%arg10 : memref<!tpu.dma_semaphore, #tpu.memory_space<semaphore_mem>>) src(%dma_wait3A_325 : memref<1000000x64xf32, #tpu.memory_space<hbm>>) dst(%dma_wait3A_315 : memref<128x64xf32, #tpu.memory_space<vmem>>)
      %dma_wait3A_326 = arith.constant 1 : i32
      %dma_wait3A_327 = arith.constant 3 : i32
      %dma_wait3A_328 = arith.constant 384 : i32
      %dma_wait3A_329 = arith.constant 0 : i32
      %dma_wait3A_330 = tpu.memref_slice %arg7[%dma_wait3A_328, %dma_wait3A_329] : memref<512x64xf32, #tpu.memory_space<vmem>> -> memref<128x64xf32, #tpu.memory_space<vmem>>
      %dma_wait3A_331 = arith.constant 0 : i32
      %dma_wait3A_332 = arith.constant 0 : i32
      %dma_wait3A_333 = tpu.memref_slice %arg5[%dma_wait3A_326, %dma_wait3A_331, %dma_wait3A_332] : memref<2x4x128xi32, #tpu.memory_space<vmem>> -> memref<1x4x128xi32, #tpu.memory_space<vmem>>
      %dma_wait3A_334 = tpu.memref_squeeze %dma_wait3A_333 : memref<1x4x128xi32, #tpu.memory_space<vmem>> -> memref<4x128xi32, #tpu.memory_space<vmem>>
      %dma_wait3A_335 = arith.constant 0 : i32
      %dma_wait3A_336 = tpu.memref_slice %dma_wait3A_334[%dma_wait3A_327, %dma_wait3A_335] : memref<4x128xi32, #tpu.memory_space<vmem>> -> memref<1x128xi32, #tpu.memory_space<vmem>>
      %dma_wait3A_337 = tpu.memref_squeeze %dma_wait3A_336 : memref<1x128xi32, #tpu.memory_space<vmem>> -> memref<128xi32, #tpu.memory_space<vmem>>
      %dma_wait3A_338 = arith.constant 0 : i32
      %dma_wait3A_339 = arith.constant 0 : i32
      %dma_wait3A_340 = tpu.memref_slice %arg3[%dma_wait3A_338, %dma_wait3A_339] : memref<1000000x64xf32, #tpu.memory_space<hbm>> -> memref<1000000x64xf32, #tpu.memory_space<hbm>>
      tpu.wait_indirect_dma semaphore(%arg10 : memref<!tpu.dma_semaphore, #tpu.memory_space<semaphore_mem>>) src(%dma_wait3A_340 : memref<1000000x64xf32, #tpu.memory_space<hbm>>) dst(%dma_wait3A_330 : memref<128x64xf32, #tpu.memory_space<vmem>>)
      %mul3A_341 = arith.constant 512 : i32
      %mul3A_342 = arith.muli %add3A_193, %mul3A_341 : i32
      %add3A_343 = arith.addi %mul3A_4, %mul3A_342 : i32
      %dma_start3A_344 = arith.constant 0 : i32
      %dma_start3A_345 = tpu.memref_slice %arg4[%add3A_343, %dma_start3A_344] : memref<819200x64xf32, #tpu.memory_space<hbm>> -> memref<512x64xf32, #tpu.memory_space<hbm>>
      %dma_start3A_346 = arith.constant 0 : i32
      %dma_start3A_347 = tpu.memref_slice %arg4[%add3A_343, %dma_start3A_346] : memref<819200x64xf32, #tpu.memory_space<hbm>> -> memref<512x64xf32, #tpu.memory_space<hbm>>
      tpu.enqueue_dma source(%arg7 : memref<512x64xf32, #tpu.memory_space<vmem>>) target(%dma_start3A_347 : memref<512x64xf32, #tpu.memory_space<hbm>>) target_semaphore(%arg12 : memref<!tpu.dma_semaphore, #tpu.memory_space<semaphore_mem>>)
      %scan3A_348 = arith.constant 0 : i32
      scf.yield %scan3A_348 : i32
    }
    %scan3A_22 = arith.constant 25 : i32
    %dma_wait3A = arith.constant 0 : i32
    %dma_wait3A_23 = arith.constant 0 : i32
    %dma_wait3A_24 = tpu.memref_slice %arg4[%dma_wait3A, %dma_wait3A_23] : memref<819200x64xf32, #tpu.memory_space<hbm>> -> memref<512x64xf32, #tpu.memory_space<hbm>>
    %dma_wait3A_25 = arith.constant 0 : i32
    %dma_wait3A_26 = arith.constant 0 : i32
    %dma_wait3A_27 = tpu.memref_slice %arg4[%dma_wait3A_25, %dma_wait3A_26] : memref<819200x64xf32, #tpu.memory_space<hbm>> -> memref<512x64xf32, #tpu.memory_space<hbm>>
    tpu.wait_dma2 semaphore(%arg11 : memref<!tpu.dma_semaphore, #tpu.memory_space<semaphore_mem>>) src(%dma_wait3A_27 : memref<512x64xf32, #tpu.memory_space<hbm>>) dst(%arg6 : memref<512x64xf32, #tpu.memory_space<vmem>>)
    %dma_wait3A_28 = arith.constant 0 : i32
    %dma_wait3A_29 = arith.constant 0 : i32
    %dma_wait3A_30 = tpu.memref_slice %arg4[%dma_wait3A_28, %dma_wait3A_29] : memref<819200x64xf32, #tpu.memory_space<hbm>> -> memref<512x64xf32, #tpu.memory_space<hbm>>
    %dma_wait3A_31 = arith.constant 0 : i32
    %dma_wait3A_32 = arith.constant 0 : i32
    %dma_wait3A_33 = tpu.memref_slice %arg4[%dma_wait3A_31, %dma_wait3A_32] : memref<819200x64xf32, #tpu.memory_space<hbm>> -> memref<512x64xf32, #tpu.memory_space<hbm>>
    tpu.wait_dma2 semaphore(%arg12 : memref<!tpu.dma_semaphore, #tpu.memory_space<semaphore_mem>>) src(%dma_wait3A_33 : memref<512x64xf32, #tpu.memory_space<hbm>>) dst(%arg7 : memref<512x64xf32, #tpu.memory_space<vmem>>)
    return
  }
}

</mosaic_0001>

<sc_bundles>
// kernel: kernel.3.cloned.1.call-start
scs
__scs_entry_jumppad:
0x0: {  	(pc) =	sbr.rel $0x88, $3  }
0x1: {  	(tag) =	ssettag $0x0;
	lr =	simm.s32 $0x1  }
0x2: {  	[smem:$0x3F9F] =	sst lr;
	_ =	strace $0xD0000000  }
0x3: {  	_ = 	snop  }
0x4: {  	_ = 	snop  }
0x5: {  	_ = 	snop  }
0x6: {  	_ = 	snop  }
0x7: {  	_ = 	snop  }
__scs_overlays_trampoline_lowered:
0x8: {  	[smem:$0x3FAE] =	sst s0  }
0x9: {  	[smem:$0x3FAF] =	sst s1  }
0xa: {  	[smem:$0x3FB0] =	sst s2  }
0xb: {  	[smem:$0x3FB1] =	sst s3  }
0xc: {  	[smem:$0x3FB2] =	sst s4  }
0xd: {  	[smem:$0x3FB3] =	sst s5  }
0xe: {  	[smem:$0x3FB4] =	sst s6  }
0xf: {  	[smem:$0x3FB5] =	sst s7  }
0x10: {  	[smem:$0x3FB6] =	sst s8  }
0x11: {  	[smem:$0x3FB7] =	sst s9;
	s0 =	simm.s32 @!p0 $0x0  }
0x12: {  	s1 =	sld [smem:$0x3F9D];
	s0 =	simm.s32 @p0 $0x1  }
0x13: {  	[smem:$0x3FB8] =	sst s0;
	s0 =	simm.s32 @!p1 $0x0  }
0x14: {  	s2 =	sld [smem:$0x3F9C];
	s0 =	simm.s32 @p1 $0x1  }
0x15: {  	[smem:$0x3FB9] =	sst s0;
	s0 =	simm.s32 @!p2 $0x0  }
0x16: {  	s3 =	sld [smem:$0x3FDB];
	s0 =	simm.s32 @p2 $0x1  }
0x17: {  	s4 =	simm.s32 $0x1BF5;
	[smem:$0x3FBB] =	sst s0  }
0x18: {  	s0 =	sld [smem:$0x3F9E];
	_ =	swait.ge [sflag:s4], $0x0  }
0x19: {  	s7 =	sld [smem:$0x3F9F]  }
0x1a: {  	s8 =	sadd.s32 $0xFFFFE003, lr  }
0x1b: {  	s9 =	sadd.s32 $0xFFFFFEF7, lr;
	s5 =	simm.s32 $0xFFFFFFFF;
	p2 =	slt.u32 s8, $0xFFFFF086  }
0x1c: {  	p1 =	slt.u32 s9, $0xF7A;
	s5 =	simm.s32 @!p2 $0x0  }
0x1d: {  	s5 =	simm.s32 @p1 $0x1;
	p0 =	seq.s32 s7, s2  }
0x1e: {  	s7 =	smul.u32 @!p0 $0xF7A, s2;
	p2 =	seq.s32 @!p0 s5, $0x0  }
0x1f: {  	s9 =	smul.u32 $0xF7A, s1;
	s8 =	simm.s32 @!p0 $0x1BF5;
	p2 =	por !p2, p0  }
0x20: {  	[sflag:s8] =	ssyncset.s32 @!p0 $0xFFFFF086;
	s6 =	sadd.s32 @!p0 s3, s7;
	s7 =	simm.s32 @!p0 $0x108  }
0x21: {  	s3 =	sadd.s32 s3, s9;
	s6 =	sadd.s32 @!p0 $0x88, s6;
	s7 =	simm.s32 @p2 $0x1082  }
0x22: {  	[simem:s7], [sflag:s8] =	dma.local @!p0 [hbm:s6], $0xF7A  }
0x23: {  	s9 =	sor.u32 $0xD0000000, s2;
	s6 =	simm.s32 $0x108;
	_ =	swait.ge @!p0 [sflag:s8], $0x0  }
0x24: {  	s3 =	sadd.s32 $0x88, s3;
	s6 =	simm.s32 @!p1 $0x1082;
	[sflag:s4] =	ssyncset.s32 $0xFFFFF086  }
0x25: {  	[simem:s6], [sflag:s4] =	dma.local [hbm:s3], $0xF7A  }
0x26: {  	[smem:$0x3F9F] =	sst s1;
	(tag) =	ssettag s2;
	_ =	strace s9  }
0x27: {  	s1 =	sld [smem:$0x3FAF]  }
0x28: {  	s2 =	sld [smem:$0x3FB0]  }
0x29: {  	s4 =	sld [smem:$0x3FB2]  }
0x2a: {  	p0 =	seq.s32 s5, $0x0;
	s5 =	sld [smem:$0x3FB3]  }
0x2b: {  	s6 =	sld [smem:$0x3FB4]  }
0x2c: {  	s7 =	sld [smem:$0x3FB5]  }
0x2d: {  	s3 =	simm.s32 $0x108;
	s8 =	sld [smem:$0x3FB6]  }
0x2e: {  	s3 =	simm.s32 @!p0 $0x1082;
	s9 =	sld [smem:$0x3FB7]  }
0x2f: {  	lr =	sadd.s32 s0, s3;
	s0 =	sld [smem:$0x3FAE]  }
0x30: {  	s3 =	sld [smem:$0x3FB1]  }
0x31: {  	[smem:$0x3FBA] =	sst s10  }
0x32: {  	s10 =	sld [smem:$0x3FB8];
	_ =	sdelay $0x3  }
0x33: {  	p0 =	seq.s32 s10, $0x1;
	s10 =	sld [smem:$0x3FBA];
	_ =	sdelay $0x3  }
0x34: {  	[smem:$0x3FBA] =	sst s10  }
0x35: {  	s10 =	sld [smem:$0x3FB9];
	_ =	sdelay $0x3  }
0x36: {  	p1 =	seq.s32 s10, $0x1;
	s10 =	sld [smem:$0x3FBA];
	_ =	sdelay $0x3  }
0x37: {  	[smem:$0x3FBA] =	sst s10  }
0x38: {  	s10 =	sld [smem:$0x3FBB]  }
0x39: {  	_ = 	snop;
	(pc) =	sbr.ind lr, $3  }
0x3a: {  	_ = 	snop  }
0x3b: {  	_ = 	snop  }
0x3c: {  	p2 =	seq.s32 s10, $0x1;
	s10 =	sld [smem:$0x3FBA]  }
0x3d: {  	_ =	shalt  }
0x3e: {  	_ =	shalt  }
0x3f: {  	_ =	shalt  }
0x40: {  	_ =	shalt  }
0x41: {  	_ =	shalt  }
0x42: {  	_ =	shalt  }
0x43: {  	_ =	shalt  }
0x44: {  	_ =	shalt  }
0x45: {  	_ =	shalt  }
0x46: {  	_ =	shalt  }
0x47: {  	_ =	shalt  }
0x48: {  	_ =	shalt  }
0x49: {  	_ =	shalt  }
0x4a: {  	_ =	shalt  }
0x4b: {  	_ =	shalt  }
0x4c: {  	_ =	shalt  }
0x4d: {  	_ =	shalt  }
0x4e: {  	_ =	shalt  }
0x4f: {  	_ =	shalt  }
0x50: {  	_ =	shalt  }
0x51: {  	_ =	shalt  }
0x52: {  	_ =	shalt  }
0x53: {  	_ =	shalt  }
0x54: {  	_ =	shalt  }
0x55: {  	_ =	shalt  }
0x56: {  	_ =	shalt  }
0x57: {  	_ =	shalt  }
0x58: {  	_ =	shalt  }
0x59: {  	_ =	shalt  }
0x5a: {  	_ =	shalt  }
0x5b: {  	_ =	shalt  }
0x5c: {  	_ =	shalt  }
0x5d: {  	_ =	shalt  }
0x5e: {  	_ =	shalt  }
0x5f: {  	_ =	shalt  }
0x60: {  	_ =	shalt  }
0x61: {  	_ =	shalt  }
0x62: {  	_ =	shalt  }
0x63: {  	_ =	shalt  }
0x64: {  	_ =	shalt  }
0x65: {  	_ =	shalt  }
0x66: {  	_ =	shalt  }
0x67: {  	_ =	shalt  }
0x68: {  	_ =	shalt  }
0x69: {  	_ =	shalt  }
0x6a: {  	_ =	shalt  }
0x6b: {  	_ =	shalt  }
0x6c: {  	_ =	shalt  }
0x6d: {  	_ =	shalt  }
0x6e: {  	_ =	shalt  }
0x6f: {  	_ =	shalt  }
0x70: {  	_ =	shalt  }
0x71: {  	_ =	shalt  }
0x72: {  	_ =	shalt  }
0x73: {  	_ =	shalt  }
0x74: {  	_ =	shalt  }
0x75: {  	_ =	shalt  }
0x76: {  	_ =	shalt  }
0x77: {  	_ =	shalt  }
0x78: {  	_ =	shalt  }
0x79: {  	_ =	shalt  }
0x7a: {  	_ =	shalt  }
0x7b: {  	_ =	shalt  }
0x7c: {  	_ =	shalt  }
0x7d: {  	_ =	shalt  }
0x7e: {  	_ =	shalt  }
0x7f: {  	_ =	shalt  }
0x80: {  	_ =	shalt  }
0x81: {  	_ =	shalt  }
0x82: {  	_ =	shalt  }
0x83: {  	_ =	shalt  }
0x84: {  	_ =	shalt  }
0x85: {  	_ =	shalt  }
0x86: {  	_ =	shalt  }
0x87: {  	_ =	shalt  }
.Lfunc_end0:
.L_simem_size_0:
called_computation.1_lowered:
.L_overlay_start_0:
0x88: {  	s2 =	sld [smem:$0x3FD9]  }
0x89: {  	s3 =	sld [smem:$0x3FFE];
	_ =	sdelay $0x1  }
0x8a: {  	s1 =	srdreg.scid  }
0x8b: {  	s0 =	sand.u32 $0x1, s1  }
0x8c: {  	s17 =	sshll.u32 s0, $0xA;
	s2 =	sadd.s32 s3, s2  }
0x8d: {  	s2 =	sadd.s32 s2, s17  }
0x8e: {  	[smem:$0x3FC6] =	sst s2  }
0x8f: {  	_ = 	snop  }
0x90: {  	s2 =	sld [smem:$0x3FD0];
	(tm) =	ssettm $0x1  }
0x91: {  	s18 =	sld [smem:$0x3FFB];
	_ =	sdelay $0x3  }
0x92: {  	_ =	strace s18  }
0x93: {  	s3 =	sld [smem:$0x3FFC];
	_ =	sdelay $0x3  }
0x94: {  	_ =	strace s3  }
0x95: {  	s3 =	sld [smem:$0x3FFD];
	_ =	sdelay $0x3  }
0x96: {  	_ =	strace s3  }
0x97: {  	_ =	strace $0x8FFFFFFF  }
0x98: {  	s19 =	sld [smem:$0x3FDB];
	_ =	sdelay $0x1  }
0x99: {  	s4 =	simm.s32 $_scs_section_size  }
0x9a: {  	s5 =	simm.s32 $_size__tile_overlayer_lowered;
	s6 =	simm.s32 $_tile_overlayer_lowered  }
0x9b: {  	s22 =	simm.s32 $0x1BFF;
	s21 =	sshll.u32 s6, $0x1;
	s3 =	sadd.s32 s4, s19  }
0x9c: {  	s7 =	simm.s32 $0x0;
	s20 =	sshll.u32 s5, $0x1;
	s5 =	sadd.s32 s21, s3  }
0x9d: {  	[timem:s7], [sflag:s22] =	dma.local [hbm:s5], s20  }
0x9e: {  	_ =	swait.ge [sflag:s22], s20  }
0x9f: {  	s4 =	ssub.s32 $0x0, s20;
	[sflag:s22] =	ssyncset.done $0x0  }
0xa0: {  	[sflag:s22] =	ssyncadd.s32 s4;
	_ =	sdelay $0x1  }
0xa1: {  	s23 =	simm.s32 $0x1B8B  }
0xa2: {  	_ =	swait.ge [sflag:s23], $0x1  }
0xa3: {  	[sflag:s23] =	ssyncset.done $0x0  }
0xa4: {  	s25 =	simm.s32 $0x1B8E;
	s24 =	sld [smem:$0x3FFE];
	[sflag:s23] =	ssyncadd.s32 $0xFFFFFFFF  }
0xa5: {  	s26 =	simm.s32 $execute0_lowered;
	[smem:$0x3FD2] =	sst s25  }
0xa6: {  	s5 =	sshll.u32 s26, $0x1;
	_ =	strace $0x80000046;
	[dreg:$0x1] =	wrdreg $0xFFFFFFFF  }
0xa7: {  	s28 =	simm.s32 $_size_execute0_lowered;
	s3 =	sadd.s32 s3, s5;
	[dreg:$0x0] =	wrdreg $0x0  }
0xa8: {  	s5 =	sshll.u32 s28, $0x1;
	[dreg:$0x2] =	wrdreg s3  }
0xa9: {  	[dreg:$0x3] =	wrdreg s5  }
0xaa: {  	[dreg:$0x4] =	wrdreg $0xC0  }
0xab: {  	_ =	task [dreg:s7], $0x5FFFF  }
0xac: {  	[dreg:$0x1] =	wrdreg $0xFFFFFFFF  }
0xad: {  	[dreg:$0x0] =	wrdreg $0x60  }
0xae: {  	[dreg:$0x2] =	wrdreg s24  }
0xaf: {  	[dreg:$0x3] =	wrdreg s2  }
0xb0: {  	[dreg:$0x4] =	wrdreg $0x9  }
0xb1: {  	_ =	task.clear_ibuf [dreg:s7], $0x5FFFF;
	_ =	strace $0x90000046  }
0xb2: {  	s29 =	simm.s32 $0x9;
	_ =	strace $0x80000048  }
0xb3: {  	_ =	swait.ge [sflag:s29], $0x1  }
0xb4: {  	[sflag:s29] =	ssyncadd.s32 $0xFFFFFFFF  }
0xb5: {  	_ =	strace $0x90000048  }
0xb6: {  	_ =	sfence  }
0xb7: {  	s30 =	sld [smem:$0x0];
	_ =	sdelay $0x2  }
0xb8: {  	s31 =	sshll.u32 s1, $0xD;
	s1 =	sshrl.u32 s1, $0x2  }
0xb9: {  	s3 =	sand.u32 $0x4000, s31;
	s1 =	sadd.s32 s1, s30  }
0xba: {  	s0 =	sor.u32 s3, s0;
	s1 =	sshll.u32 s1, $0x11  }
0xbb: {  	s0 =	sor.u32 s1, s0  }
0xbc: {  	s0 =	sadd.s32 $0x8F2B, s0  }
0xbd: {  	[sflag:s0] =	ssyncadd.remote.s32 $0x1  }
0xbe: {  	_ =	sfence.sel $0xFFFF  }
0xbf: {  	[dreg:$0x0] =	wrdreg $0xFFFFFFFF;
	(pc) =	sbr.abs _section_cstart, $3  }
0xc0: {  	[dreg:$0x1] =	wrdreg $0xFFFFFFFF  }
0xc1: {  	_ =	task.clear_ibuf [dreg:s7], $0x2FFFF;
	_ =	strace $0x9FFFFFFF  }
0xc2: {  	(tm) =	ssettm $0x7FFFFFFF  }
0xc3: {  	_ =	shalt  }
tec
execute0_lowered:
.L_overlay_start_1:
0x0: {  	(tag) =	ssettag $0x1  }
0x1: {  	s0 =	rddreg [dreg:$0x0];
	s1 =	srdreg.scid  }
0x2: {  	s11 =	stileid.u32;
	s7 =	rddreg [dreg:$0x1];
	s2 =	simm.s32 $0x0  }
0x3: {  	s30 =	simm.s32 $0x2400;
	s31 =	simm.s32 $0x100;
	s12 =	simm.s32 $0x4400  }
0x4: {  	s13 =	simm.s32 $0x180;
	s14 =	simm.s32 $0x6400;
	s15 =	simm.s32 $0x200  }
0x5: {  	s16 =	simm.s32 $0x2;
	s17 =	simm.s32 $0x8400;
	s18 =	simm.s32 $0x280  }
0x6: {  	s19 =	simm.s32 $0xA400;
	s20 =	simm.s32 $0x300;
	s21 =	simm.s32 $0xC400  }
0x7: {  	s28 =	simm.s32 $0x0;
	s1 =	sand.u32 $0x1, s1;
	s3 =	sshll.u32 s11, $0x1  }
0x8: {  	[smem:$0x7FF] =	sst s2;
	s8 =	smul.u32 $0x320000, s11;
	s4 =	sadd.s32 $0xF42E00, s0  }
0x9: {  	s23 =	smul.u32 $0xC800, s11;
	s11 =	simm.s32 $0x400;
	s3 =	sor.u32 s1, s3  }
0xa: {  	_ =	strace $0x80000047;
	s10 =	smul.u32 $0x190000, s1;
	[dreg:$0x5] =	wrdreg s30  }
0xb: {  	s6 =	ssub.s32 $0x2, s1;
	s1 =	smul.u32 $0x6400, s1;
	[dreg:$0x6] =	wrdreg s31  }
0xc: {  	s5 =	smul.u32 $0xC80, s3;
	s3 =	sadd.s32 $0xA00, s0;
	s9 =	sshrl.u32 s6, $0x1  }
0xd: {  	s22 =	ssub.s32 s6, s9;
	s8 =	sadd.s32 s10, s8;
	s1 =	sadd.s32 s1, s23  }
0xe: {  	s9 =	simm.s32 $0x1;
	s10 =	simm.s32 $0x80;
	s23 =	simm.s32 $0xE400  }
0xf: {  	s5 =	sadd.s32 s3, s5;
	s6 =	smax.u32 s22, $0x1;
	s24 =	sshrl.u32 s8, $0x3  }
0x10: {  	s8 =	sor.u32 $0x8000, s8;
	s26 =	sor.u32 $0x200, s1;
	s1 =	sadd.s32 $0x400, s1  }
0x11: {  	s22 =	simm.s32 $0x380;
	[dreg:$0x7] =	wrdreg s5;
	s0 =	sadd.s32 s24, s7  }
0x12: {  	s8 =	sshrl.u32 s8, $0x3;
	s29 =	sshrl.u32 s26, $0x3;
	s24 =	simm.s32 $0x3  }
0x13: {  	s26 =	simm.s32 $0x5;
	[dreg:$0x3] =	wrdreg s0;
	s25 =	sadd.s32 s8, s7  }
0x14: {  	s8 =	sadd.s32 s29, s3;
	[dreg:$0x4] =	wrdreg s25;
	s25 =	simm.s32 $0x4  }
.LBB2_1:
0x15: {  	s0 =	rddreg [dreg:$0x7]  }
0x16: {  	[tilespmem:s2], [sflag:$0x1] =	stream.linear.gather [hbm4b:s0+s2], $0x200, $0x38;
	[tilespmem:$0x10400] =	vst v63  }
0x17: {  	_ =	swait.ge [sflag:s9], $0x200  }
0x18: {  	p0 =	por $0x1, $0x1;
	[sflag:s9] =	ssyncset.done $0x0  }
0x19: {  	s0 =	simm.s32 @!p0 $0x4;
	[sflag:s9] =	ssyncadd.s32 $0xFFFFFE00  }
0x1a: {  	_ =	swait.ge @!p0 [sflag:s0], $0x8000  }
0x1b: {  	[sflag:s0] =	ssyncset.done @!p0 $0x0  }
0x1c: {  	[sflag:s0] =	ssyncadd.s32 @!p0 $0xFFFF8000  }
0x1d: {  	[tilespmem:s11], [sflag:$0x2] =	stream.indirect.gather [hbm4b:s4+s10], $0x40, s2, s10, $0xb8;
	[tilespmem:$0x10400] =	vst v63  }
0x1e: {  	s5 =	rddreg [dreg:$0x5]  }
0x1f: {  	[tilespmem:s5], [sflag:$0x2] =	stream.indirect.gather [hbm4b:s4+s10], $0x40, s10, s10, $0xb8;
	[tilespmem:$0x10400] =	vst v63  }
0x20: {  	s7 =	rddreg [dreg:$0x6]  }
0x21: {  	[tilespmem:s12], [sflag:$0x2] =	stream.indirect.gather [hbm4b:s4+s10], $0x40, s7, s10, $0xb8;
	[tilespmem:$0x10400] =	vst v63  }
0x22: {  	_ = 	snop  }
0x23: {  	[tilespmem:s14], [sflag:$0x2] =	stream.indirect.gather [hbm4b:s4+s10], $0x40, s13, s10, $0xb8;
	[tilespmem:$0x10400] =	vst v63  }
0x24: {  	_ = 	snop  }
0x25: {  	[tilespmem:s15], [sflag:$0x1] =	stream.linear.gather [hbm4b:s8+s2], $0x200, $0x38;
	[tilespmem:$0x10400] =	vst v63  }
0x26: {  	_ =	swait.ge [sflag:s16], $0x2000  }
0x27: {  	[sflag:s16] =	ssyncset.done $0x0  }
0x28: {  	[sflag:s16] =	ssyncadd.s32 $0xFFFFE000  }
0x29: {  	_ =	swait.ge [sflag:s16], $0x2000  }
0x2a: {  	[sflag:s16] =	ssyncset.done $0x0  }
0x2b: {  	[sflag:s16] =	ssyncadd.s32 $0xFFFFE000  }
0x2c: {  	_ =	swait.ge [sflag:s16], $0x2000  }
0x2d: {  	[sflag:s16] =	ssyncset.done $0x0  }
0x2e: {  	[sflag:s16] =	ssyncadd.s32 $0xFFFFE000  }
0x2f: {  	_ =	swait.ge [sflag:s16], $0x2000  }
0x30: {  	s7 =	rddreg [dreg:$0x3];
	[sflag:s16] =	ssyncset.done $0x0  }
0x31: {  	[sflag:s16] =	ssyncadd.s32 $0xFFFFE000;
	s0 =	sadd.s32 $0x0, s7  }
0x32: {  	[hbm4b:s0+s2] =	stream.linear.scatter [tilespmem:s11], [sflag:$0x4], $0x8000, $0x38;
	[tilespmem:$0x10400] =	vst v63  }
0x33: {  	_ =	swait.ge [sflag:s9], $0x200  }
0x34: {  	[sflag:s9] =	ssyncset.done $0x0  }
0x35: {  	s0 =	simm.s32 @!p0 $0x5;
	[sflag:s9] =	ssyncadd.s32 $0xFFFFFE00  }
0x36: {  	_ =	swait.ge @!p0 [sflag:s0], $0x8000  }
0x37: {  	[sflag:s0] =	ssyncset.done @!p0 $0x0  }
0x38: {  	[sflag:s0] =	ssyncadd.s32 @!p0 $0xFFFF8000  }
0x39: {  	[tilespmem:s17], [sflag:$0x3] =	stream.indirect.gather [hbm4b:s4+s10], $0x40, s15, s10, $0xb8;
	[tilespmem:$0x10400] =	vst v63  }
0x3a: {  	_ = 	snop  }
0x3b: {  	[tilespmem:s19], [sflag:$0x3] =	stream.indirect.gather [hbm4b:s4+s10], $0x40, s18, s10, $0xb8;
	[tilespmem:$0x10400] =	vst v63  }
0x3c: {  	p0 =	por $0x0, $0x0  }
0x3d: {  	[tilespmem:s21], [sflag:$0x3] =	stream.indirect.gather [hbm4b:s4+s10], $0x40, s20, s10, $0xb8;
	[tilespmem:$0x10400] =	vst v63  }
0x3e: {  	s0 =	sshrl.u32 @!p0 s1, $0x3  }
0x3f: {  	[tilespmem:s23], [sflag:$0x3] =	stream.indirect.gather [hbm4b:s4+s10], $0x40, s22, s10, $0xb8;
	[tilespmem:$0x10400] =	vst v63  }
0x40: {  	s7 =	simm.s32 @!p0 $0x0;
	s0 =	sadd.s32 @!p0 s3, s0  }
0x41: {  	[tilespmem:s7], [sflag:$0x1] =	stream.linear.gather @!p0 [hbm4b:s0+s7], $0x200, $0x38;
	[tilespmem:$0x10400] =	vst v63  }
0x42: {  	_ =	swait.ge [sflag:s24], $0x2000  }
0x43: {  	[sflag:s24] =	ssyncset.done $0x0  }
0x44: {  	[sflag:s24] =	ssyncadd.s32 $0xFFFFE000  }
0x45: {  	_ =	swait.ge [sflag:s24], $0x2000  }
0x46: {  	[sflag:s24] =	ssyncset.done $0x0  }
0x47: {  	[sflag:s24] =	ssyncadd.s32 $0xFFFFE000  }
0x48: {  	_ =	swait.ge [sflag:s24], $0x2000  }
0x49: {  	[sflag:s24] =	ssyncset.done $0x0  }
0x4a: {  	[sflag:s24] =	ssyncadd.s32 $0xFFFFE000  }
0x4b: {  	s29 =	simm.s32 $0x2000;
	_ =	swait.ge [sflag:s24], $0x2000  }
0x4c: {  	s30 =	sadd.s32 $0x80, s8;
	s31 =	simm.s32 $0x0;
	[sflag:s24] =	ssyncset.done $0x0  }
0x4d: {  	s7 =	smov.u32 s1;
	s0 =	rddreg [dreg:$0x4];
	[sflag:s24] =	ssyncadd.s32 $0xFFFFE000  }
.LBB2_2:
0x4e: {  	s0 =	sadd.s32 s31, s0  }
0x4f: {  	[hbm4b:s0+s2] =	stream.linear.scatter [tilespmem:s17], [sflag:$0x5], $0x8000, $0x38;
	[tilespmem:$0x10400] =	vst v63  }
0x50: {  	s31 =	smov.u32 s29;
	_ =	swait.ge [sflag:s9], $0x200  }
0x51: {  	p1 =	seq.s32 s31, $0x0;
	[sflag:s9] =	ssyncset.done $0x0  }
0x52: {  	s0 =	simm.s32 @!p1 $0x4;
	[sflag:s9] =	ssyncadd.s32 $0xFFFFFE00  }
0x53: {  	_ =	swait.ge @!p1 [sflag:s0], $0x8000  }
0x54: {  	[sflag:s0] =	ssyncset.done @!p1 $0x0  }
0x55: {  	[sflag:s0] =	ssyncadd.s32 @!p1 $0xFFFF8000  }
0x56: {  	[tilespmem:s11], [sflag:$0x2] =	stream.indirect.gather [hbm4b:s4+s10], $0x40, s2, s10, $0xb8;
	[tilespmem:$0x10400] =	vst v63  }
0x57: {  	s0 =	rddreg [dreg:$0x5]  }
0x58: {  	[tilespmem:s0], [sflag:$0x2] =	stream.indirect.gather [hbm4b:s4+s10], $0x40, s10, s10, $0xb8;
	[tilespmem:$0x10400] =	vst v63  }
0x59: {  	s5 =	rddreg [dreg:$0x6]  }
0x5a: {  	[tilespmem:s12], [sflag:$0x2] =	stream.indirect.gather [hbm4b:s4+s10], $0x40, s5, s10, $0xb8;
	[tilespmem:$0x10400] =	vst v63  }
0x5b: {  	_ = 	snop  }
0x5c: {  	[tilespmem:s14], [sflag:$0x2] =	stream.indirect.gather [hbm4b:s4+s10], $0x40, s13, s10, $0xb8;
	[tilespmem:$0x10400] =	vst v63  }
0x5d: {  	_ = 	snop  }
0x5e: {  	[tilespmem:s15], [sflag:$0x1] =	stream.linear.gather [hbm4b:s30+s2], $0x200, $0x38;
	[tilespmem:$0x10400] =	vst v63  }
0x5f: {  	_ =	swait.ge [sflag:s16], $0x2000  }
0x60: {  	[sflag:s16] =	ssyncset.done $0x0  }
0x61: {  	[sflag:s16] =	ssyncadd.s32 $0xFFFFE000  }
0x62: {  	_ =	swait.ge [sflag:s16], $0x2000  }
0x63: {  	[sflag:s16] =	ssyncset.done $0x0  }
0x64: {  	[sflag:s16] =	ssyncadd.s32 $0xFFFFE000  }
0x65: {  	_ =	swait.ge [sflag:s16], $0x2000  }
0x66: {  	[sflag:s16] =	ssyncset.done $0x0  }
0x67: {  	[sflag:s16] =	ssyncadd.s32 $0xFFFFE000  }
0x68: {  	_ =	swait.ge [sflag:s16], $0x2000  }
0x69: {  	s5 =	rddreg [dreg:$0x3];
	[sflag:s16] =	ssyncset.done $0x0  }
0x6a: {  	[sflag:s16] =	ssyncadd.s32 $0xFFFFE000;
	s0 =	sadd.s32 s31, s5  }
0x6b: {  	[hbm4b:s0+s2] =	stream.linear.scatter [tilespmem:s11], [sflag:$0x4], $0x8000, $0x38;
	[tilespmem:$0x10400] =	vst v63  }
0x6c: {  	_ =	swait.ge [sflag:s9], $0x200  }
0x6d: {  	[sflag:s9] =	ssyncset.done $0x0  }
0x6e: {  	s0 =	simm.s32 @!p1 $0x5;
	[sflag:s9] =	ssyncadd.s32 $0xFFFFFE00  }
0x6f: {  	_ =	swait.ge @!p1 [sflag:s0], $0x8000  }
0x70: {  	[sflag:s0] =	ssyncset.done @!p1 $0x0  }
0x71: {  	[sflag:s0] =	ssyncadd.s32 @!p1 $0xFFFF8000  }
0x72: {  	[tilespmem:s17], [sflag:$0x3] =	stream.indirect.gather [hbm4b:s4+s10], $0x40, s15, s10, $0xb8;
	[tilespmem:$0x10400] =	vst v63  }
0x73: {  	_ = 	snop  }
0x74: {  	[tilespmem:s19], [sflag:$0x3] =	stream.indirect.gather [hbm4b:s4+s10], $0x40, s18, s10, $0xb8;
	[tilespmem:$0x10400] =	vst v63  }
0x75: {  	s7 =	sadd.s32 $0x400, s7;
	p1 =	seq.s32 s31, $0x30000  }
0x76: {  	[tilespmem:s21], [sflag:$0x3] =	stream.indirect.gather [hbm4b:s4+s10], $0x40, s20, s10, $0xb8;
	[tilespmem:$0x10400] =	vst v63  }
0x77: {  	s0 =	sshrl.u32 @!p1 s7, $0x3  }
0x78: {  	[tilespmem:s23], [sflag:$0x3] =	stream.indirect.gather [hbm4b:s4+s10], $0x40, s22, s10, $0xb8;
	[tilespmem:$0x10400] =	vst v63  }
0x79: {  	s5 =	simm.s32 @!p1 $0x0;
	s0 =	sadd.s32 @!p1 s3, s0  }
0x7a: {  	[tilespmem:s5], [sflag:$0x1] =	stream.linear.gather @!p1 [hbm4b:s0+s5], $0x200, $0x38;
	[tilespmem:$0x10400] =	vst v63  }
0x7b: {  	_ =	swait.ge [sflag:s24], $0x2000  }
0x7c: {  	[sflag:s24] =	ssyncset.done $0x0  }
0x7d: {  	[sflag:s24] =	ssyncadd.s32 $0xFFFFE000  }
0x7e: {  	_ =	swait.ge [sflag:s24], $0x2000  }
0x7f: {  	[sflag:s24] =	ssyncset.done $0x0  }
0x80: {  	s29 =	sadd.s32 $0x2000, s29;
	[sflag:s24] =	ssyncadd.s32 $0xFFFFE000  }
0x81: {  	p0 =	sne.s32 s29, $0x32000;
	_ =	swait.ge [sflag:s24], $0x2000  }
.Ltmp0:
0x82: {  	[sflag:s24] =	ssyncset.done $0x0;
	(pc) =	sbr.rel @p0 .LBB2_2-.Ltmp0, $4  }
0x83: {  	[sflag:s24] =	ssyncadd.s32 $0xFFFFE000  }
0x84: {  	_ =	swait.ge [sflag:s24], $0x2000  }
0x85: {  	[sflag:s24] =	ssyncset.done $0x0  }
0x86: {  	s30 =	sadd.s32 $0x80, s30;
	s0 =	rddreg [dreg:$0x4];
	[sflag:s24] =	ssyncadd.s32 $0xFFFFE000  }
0x87: {  	s0 =	sadd.s32 s31, s0;
	s28 =	sadd.s32 $0x1, s28  }
0x88: {  	[hbm4b:s0+s2] =	stream.linear.scatter [tilespmem:s17], [sflag:$0x5], $0x8000, $0x38;
	[tilespmem:$0x10400] =	vst v63  }
0x89: {  	p0 =	sne.s32 s28, s6;
	_ =	swait.ge [sflag:s25], $0x8000  }
.Ltmp1:
0x8a: {  	[sflag:s25] =	ssyncset.done $0x0;
	(pc) =	sbr.rel @p0 .LBB2_1-.Ltmp1, $4  }
0x8b: {  	[sflag:s25] =	ssyncadd.s32 $0xFFFF8000  }
0x8c: {  	_ =	swait.ge [sflag:s26], $0x8000  }
0x8d: {  	[sflag:s26] =	ssyncset.done $0x0  }
0x8e: {  	[sflag:s26] =	ssyncadd.s32 $0xFFFF8000  }
0x8f: {  	_ =	sfence.sel $0x180000  }
0x90: {  	[bflag:$0x0] =	sbarrier.arrive $0xFFFF  }
0x91: {  	_ =	strace $0x90000047  }
0x92: {  	s0 =	stileid.u32;
	[bflag:$0x2] =	sbarrier.arrive $0xFFFF  }
0x93: {  	p0 =	sne.s32 s0, $0x0;
	s0 =	rddreg [dreg:$0x2]  }
0x94: {  	s0 =	sadd.s32 @!p0 $0x100000, s0  }
0x95: {  	[sflag:s0] =	ssyncadd.tile.s32 @!p0 $0x1;
	_ =	shalt  }
.Lfunc_end2:
_tile_overlayer_lowered:
.L_overlay_start_2:
0x96: {  	(tag) =	ssettag $0x2  }
0x97: {  	s0 =	rddreg [dreg:$0x0];
	s2 =	stileid.u32  }
0x98: {  	s1 =	rddreg [dreg:$0x1];
	p0 =	sne.s32 s2, $0x0  }
0x99: {  	s3 =	rddreg [dreg:$0x2];
	[bflag:$0x3] =	sbarrier.arrive $0xFFFF;
	s2 =	simm.s32 @!p0 $0x1C06  }
0x9a: {  	[timem:s3], [sflag:s2] =	dma.local @!p0 [hbm:s0], s1  }
0x9b: {  	s0 =	simm.s32 @!p0 $0x6  }
0x9c: {  	_ =	swait.ge @!p0 [sflag:s0], s1  }
0x9d: {  	s1 =	ssub.s32 @!p0 $0x0, s1;
	[sflag:s0] =	ssyncset.done @!p0 $0x0  }
0x9e: {  	[sflag:s0] =	ssyncadd.s32 @!p0 s1  }
0x9f: {  	[bflag:$0x3] =	sbarrier.arrive $0xFFFF  }
0xa0: {  	_ =	shalt  }

// kernel: sparse-core-data-format-call.cloned.1.call-start
scs
called_computation_lowered:
.L_overlay_start_0:
0x0: {  	s2 =	sld [smem:$0x3FD9]  }
0x1: {  	s3 =	sld [smem:$0x3FFE];
	_ =	sdelay $0x1  }
0x2: {  	s1 =	srdreg.scid  }
0x3: {  	s0 =	sand.u32 $0x1, s1  }
0x4: {  	s18 =	sshll.u32 s0, $0xA;
	s2 =	sadd.s32 s3, s2  }
0x5: {  	s2 =	sadd.s32 s2, s18  }
0x6: {  	[smem:$0x3FC6] =	sst s2  }
0x7: {  	_ = 	snop  }
0x8: {  	s2 =	sld [smem:$0x3FD0];
	(tm) =	ssettm $0x1  }
0x9: {  	s19 =	sld [smem:$0x3FFB];
	_ =	sdelay $0x3  }
0xa: {  	_ =	strace s19  }
0xb: {  	s3 =	sld [smem:$0x3FFC];
	_ =	sdelay $0x3  }
0xc: {  	_ =	strace s3  }
0xd: {  	s3 =	sld [smem:$0x3FFD];
	_ =	sdelay $0x3  }
0xe: {  	_ =	strace s3  }
0xf: {  	_ =	strace $0x8FFFFFFF  }
0x10: {  	s20 =	sld [smem:$0x3FDB];
	_ =	sdelay $0x1  }
0x11: {  	s4 =	simm.s32 $_scs_section_size  }
0x12: {  	s5 =	simm.s32 $_size__tile_overlayer_lowered;
	s6 =	simm.s32 $_tile_overlayer_lowered  }
0x13: {  	s23 =	simm.s32 $0x1BFF;
	s22 =	sshll.u32 s6, $0x1;
	s3 =	sadd.s32 s4, s20  }
0x14: {  	s7 =	simm.s32 $0x0;
	s21 =	sshll.u32 s5, $0x1;
	s5 =	sadd.s32 s22, s3  }
0x15: {  	[timem:s7], [sflag:s23] =	dma.local [hbm:s5], s21  }
0x16: {  	_ =	swait.ge [sflag:s23], s21  }
0x17: {  	s4 =	ssub.s32 $0x0, s21;
	[sflag:s23] =	ssyncset.done $0x0  }
0x18: {  	[sflag:s23] =	ssyncadd.s32 s4;
	_ =	sdelay $0x1  }
0x19: {  	s24 =	simm.s32 $0x1B8B  }
0x1a: {  	_ =	swait.ge [sflag:s24], $0x1  }
0x1b: {  	[sflag:s24] =	ssyncset.done $0x0  }
0x1c: {  	s26 =	simm.s32 $0x1B8E;
	s25 =	sld [smem:$0x3FFE];
	[sflag:s24] =	ssyncadd.s32 $0xFFFFFFFF  }
0x1d: {  	s27 =	simm.s32 $execute0_lowered;
	[smem:$0x3FD2] =	sst s26  }
0x1e: {  	s5 =	sshll.u32 s27, $0x1;
	_ =	strace $0x80000049;
	[dreg:$0x1] =	wrdreg $0xFFFFFFFF  }
0x1f: {  	s28 =	simm.s32 $_size_execute0_lowered;
	s3 =	sadd.s32 s3, s5;
	[dreg:$0x0] =	wrdreg $0x0  }
0x20: {  	s5 =	sshll.u32 s28, $0x1;
	[dreg:$0x2] =	wrdreg s3  }
0x21: {  	[dreg:$0x3] =	wrdreg s5  }
0x22: {  	[dreg:$0x4] =	wrdreg $0xC0  }
0x23: {  	_ =	task [dreg:s7], $0x5FFFF  }
0x24: {  	[dreg:$0x1] =	wrdreg $0xFFFFFFFF  }
0x25: {  	[dreg:$0x0] =	wrdreg $0x60  }
0x26: {  	[dreg:$0x2] =	wrdreg s25  }
0x27: {  	[dreg:$0x3] =	wrdreg s2  }
0x28: {  	[dreg:$0x4] =	wrdreg $0x9  }
0x29: {  	_ =	task.clear_ibuf [dreg:s7], $0x5FFFF;
	_ =	strace $0x90000049  }
0x2a: {  	s29 =	simm.s32 $0x9;
	_ =	strace $0x8000004B  }
0x2b: {  	_ =	swait.ge [sflag:s29], $0x1  }
0x2c: {  	[sflag:s29] =	ssyncadd.s32 $0xFFFFFFFF  }
0x2d: {  	_ =	strace $0x9000004B  }
0x2e: {  	_ =	sfence  }
0x2f: {  	s30 =	sld [smem:$0x0];
	_ =	sdelay $0x2  }
0x30: {  	s31 =	sshll.u32 s1, $0xD;
	s1 =	sshrl.u32 s1, $0x2  }
0x31: {  	s3 =	sand.u32 $0x4000, s31;
	s1 =	sadd.s32 s1, s30  }
0x32: {  	s0 =	sor.u32 s3, s0;
	s1 =	sshll.u32 s1, $0x11  }
0x33: {  	s0 =	sor.u32 s1, s0  }
0x34: {  	s0 =	sadd.s32 $0x8F2B, s0  }
0x35: {  	[sflag:s0] =	ssyncadd.remote.s32 $0x1  }
0x36: {  	_ =	sfence.sel $0xFFFF  }
0x37: {  	[dreg:$0x0] =	wrdreg $0xFFFFFFFF;
	(pc) =	sbr.abs _section_cstart, $3  }
0x38: {  	[dreg:$0x1] =	wrdreg $0xFFFFFFFF  }
0x39: {  	_ =	task.clear_ibuf [dreg:s7], $0x2FFFF;
	_ =	strace $0x9FFFFFFF  }
0x3a: {  	(tm) =	ssettm $0x7FFFFFFF  }
0x3b: {  	_ =	shalt  }
tec
execute0_lowered:
.L_overlay_start_1:
0x0: {  	(tag) =	ssettag $0x1  }
0x1: {  	s0 =	srdreg.scid  }
0x2: {  	s1 =	sshll.u32 s0, $0x4  }
0x3: {  	s0 =	stileid.u32;
	s1 =	sand.u32 $0x10, s1  }
0x4: {  	s1 =	sor.u32 s0, s1  }
0x5: {  	s6 =	rddreg [dreg:$0x0];
	s4 =	simm.s32 $0x1;
	s2 =	sshll.u32 s1, $0x7  }
0x6: {  	s7 =	simm.s32 $0x2;
	s12 =	simm.s32 $0x0;
	s1 =	ssub.s32 $0x1000, s2  }
0x7: {  	s8 =	simm.s32 $0x8000;
	s13 =	simm.s32 $0x0;
	s3 =	sand.u32 $0xF80, s1  }
0x8: {  	s9 =	simm.s32 $0x0;
	s5 =	sshrl.u32 s1, $0xC;
	p0 =	sne.s32 s3, $0x0  }
.Ltmp0:
0x9: {  	s1 =	rddreg [dreg:$0x2];
	s4 =	simm.s32 @!p0 $0x0;
	(pc) =	sbr.rel .LBB1_1-.Ltmp0, $4  }
0xa: {  	s11 =	simm.s32 $0x0;
	s3 =	rddreg [dreg:$0x1];
	s5 =	sadd.s32 s4, s5  }
0xb: {  	_ =	strace $0x8000004A;
	s4 =	simm.s32 $0x1;
	s5 =	smul.u32 $0xC8, s5  }
0xc: {  	s6 =	sadd.s32 $0xA00, s6;
	s10 =	smov.u32 s2;
	[sflag:s4] =	ssyncpa.u1 $0x0  }
0xd: {  	p0 =	por $0x0, $0x0;
	[sflag:s7] =	ssyncpa.u1 $0x0;
	s7 =	sor.u32 $0x1, s5  }
.LBB1_4:
0xe: {  	s16 =	sshll.u32 s13, $0x3;
	s17 =	sand.u32 $0x78, s13  }
0xf: {  	s30 =	sand.u32 $0x7E00, s13;
	s12 =	sshll.u32 s12, $0xF;
	s16 =	sand.u32 $0xC00, s16  }
0x10: {  	[tilespmem:s15+$0x810 ss:$0x81] =	vst.msk $0xffff, v2;
	s31 =	sand.u32 $0x7, s13;
	s16 =	sor.u32 s17, s16;
	s17 =	sadd.s32 s3, s30  }
0x11: {  	[tilespmem:s15+$0x1020 ss:$0x81] =	vst.msk $0xffff, v0;
	s13 =	sshll.u32 s31, $0x12;
	s12 =	sadd.s32 s12, s17;
	s16 =	sshrl.u32 s16, $0x3  }
0x12: {  	[tilespmem:s15+$0x0 ss:$0x81] =	vst.msk $0xffff, v1;
	s13 =	sor.u32 $0x400, s13;
	s12 =	sadd.s32 s16, s12  }
0x13: {  	[hbm4b:s12+s13] =	stream.strided.scatter [tilespmem:s14], [sflag:$0x2], $0x2000, s8, s13, $0x20;
	[tilespmem:$0x8080] =	vst v63  }
.LBB1_5:
0x14: {  	s14 =	sadd.s32 $0x1, s9  }
0x15: {  	s12 =	sadd.s32 $0x1000, s10;
	s16 =	smov.u32 s10;
	p2 =	sgt.s32 s14, $0xC7  }
0x16: {  	s16 =	smov.u32 @p2 s12  }
0x17: {  	s14 =	simm.s32 @p2 $0x0;
	p2 =	sgt.s32 s16, $0xFFF  }
0x18: {  	s16 =	smov.u32 @p2 s2;
	p2 =	sne.s32 s11, s7  }
.Ltmp1:
0x19: {  	p1 =	slt.u32 s11, $0x2;
	(pc) =	sbr.rel @!p2 .LBB1_6-.Ltmp1, $4  }
0x1a: {  	s15 =	simm.s32 @!p1 $0x2  }
0x1b: {  	s13 =	smov.u32 s10;
	p0 =	por !p0, !p0;
	_ =	swait.ge @!p1 [sflag:s15], $0x2000  }
0x1c: {  	s12 =	smov.u32 s9;
	[sflag:s15] =	ssyncset.done @!p1 $0x0;
	s9 =	smov.u32 s14  }
0x1d: {  	s11 =	sadd.s32 $0x1, s11;
	[sflag:s15] =	ssyncadd.s32 @!p1 $0xFFFFE000;
	s10 =	smov.u32 s16  }
.LBB1_1:
0x1e: {  	p1 =	sge.u32 s11, s5  }
0x1f: {  	s14 =	sand.u32 @!p1 $0x1FFFFFF, s9  }
0x20: {  	s15 =	smulhi.u32 @!p1 $0x147AE15, s14;
	_ =	sdelay $0x1  }
0x21: {  	s15 =	smul.u32 @!p1 $0xC8, s15  }
0x22: {  	s16 =	sxor.u32 @!p1 $0xFFFFFFFF, s11;
	s17 =	smul.u32 @!p1 $0xC80, s10  }
0x23: {  	s31 =	sadd.s32 $0xFFFFFFFF, s11;
	s16 =	sshll.u32 @!p1 s16, $0xD;
	s14 =	ssub.s32 @!p1 s14, s15  }
0x24: {  	s15 =	sand.u32 @!p1 $0x2000, s16;
	s16 =	sadd.s32 @!p1 s6, s17;
	s14 =	sshll.u32 @!p1 s14, $0x4  }
0x25: {  	s17 =	simm.s32 @!p1 $0x6400;
	s14 =	sadd.s32 @!p1 s14, s16;
	s16 =	simm.s32 @!p1 $0x40  }
0x26: {  	[tilespmem:s15], [sflag:$0x1] =	stream.strided.gather @!p1 [hbm4b:s14+s16], $0x2000, s17, s16, $0x38;
	[tilespmem:$0x8080] =	vst v63  }
0x27: {  	p1 =	sge.u32 s31, s5  }
.Ltmp2:
0x28: {  	_ = 	snop;
	(pc) =	sbr.rel @p1 .LBB1_5-.Ltmp2, $1  }
0x29: {  	_ =	sdelay $0x3  }
0x2a: {  	s14 =	simm.s32 $0x1  }
0x2b: {  	_ =	swait.ge [sflag:s4], $0x2000;
	s14 =	simm.s32 @!p0 $0x0  }
0x2c: {  	[sflag:s4] =	ssyncset.done $0x0;
	s15 =	sshll.u32 s14, $0xD  }
0x2d: {  	[sflag:s4] =	ssyncadd.s32 $0xFFFFE000;
	s18 =	sor.u32 $0x20, s15  }
0x2e: {  	s14 =	smul.u32 $0x8100, s14;
	v3 =	vld [tilespmem:s18+$0x10]  }
0x2f: {  	s30 =	sand.u32 $0x1, s11;
	v2 =	vld [tilespmem:s18+$0xFFFFFFF0]  }
0x30: {  	s15 =	smul.u32 $0x8100, s30;
	s14 =	sshrl.u32 s14, $0x2;
	v0 =	vld [tilespmem:s18+$0x0]  }
0x31: {  	v1 =	vld [tilespmem:s18+$0xFFFFFFE0];
	s16 =	sor.u32 $0x4000, s14  }
0x32: {  	s31 =	sshrl.u32 s15, $0x2;
	s15 =	sadd.s32 $0x0, s16  }
0x33: {  	s17 =	simm.s32 $0x4;
	s18 =	sadd.s32 $0x40, s18;
	s14 =	sor.u32 $0x4000, s31;
	[tilespmem:s15+$0x1830 ss:$0x81] =	vst.msk $0xffff, v3  }
.LBB1_3:
0x34: {  	v3 =	vld [tilespmem:s18+$0x10];
	p1 =	sne.s32 s17, $0x1FC;
	[tilespmem:s15+$0x810 ss:$0x81] =	vst.msk $0xffff, v2;
	s19 =	smov.u32 s17;
	s17 =	sadd.s32 $0x4, s17  }
.Ltmp3:
0x35: {  	v2 =	vld [tilespmem:s18+$0xFFFFFFF0];
	[tilespmem:s15+$0x1020 ss:$0x81] =	vst.msk $0xffff, v0;
	(pc) =	sbr.rel @p1 .LBB1_3-.Ltmp3, $4  }
0x36: {  	v0 =	vld [tilespmem:s18+$0x0];
	[tilespmem:s15+$0x0 ss:$0x81] =	vst.msk $0xffff, v1  }
0x37: {  	s15 =	sshra.s32 s19, $0x2;
	v1 =	vld [tilespmem:s18+$0xFFFFFFE0]  }
0x38: {  	s15 =	sadd.s32 s15, s16  }
0x39: {  	s18 =	sadd.s32 $0x40, s18;
	[tilespmem:s15+$0x1830 ss:$0x81] =	vst.msk $0xffff, v3  }
.Ltmp4:
0x3a: {  	_ = 	snop;
	(pc) =	sbr.rel .LBB1_4-.Ltmp4, $1  }
0x3b: {  	_ =	sdelay $0x3  }
.LBB1_6:
0x3c: {  	_ =	sfence.sel $0x180000  }
0x3d: {  	s2 =	simm.s32 $0x1;
	[bflag:$0x0] =	sbarrier.arrive $0xFFFF  }
0x3e: {  	s31 =	simm.s32 $0x2;
	[sflag:s2] =	ssyncpa.u1 $0x1  }
0x3f: {  	[sflag:s31] =	ssyncpa.u1 $0x1  }
0x40: {  	p0 =	sne.s32 s0, $0x0;
	_ =	strace $0x9000004A  }
0x41: {  	s0 =	sadd.s32 @!p0 $0x100000, s1;
	[bflag:$0x2] =	sbarrier.arrive $0xFFFF  }
0x42: {  	[sflag:s0] =	ssyncadd.tile.s32 @!p0 $0x1;
	_ =	shalt  }
.Lfunc_end1:
_tile_overlayer_lowered:
.L_overlay_start_2:
0x43: {  	(tag) =	ssettag $0x2  }
0x44: {  	s0 =	rddreg [dreg:$0x0];
	s2 =	stileid.u32  }
0x45: {  	s1 =	rddreg [dreg:$0x1];
	p0 =	sne.s32 s2, $0x0  }
0x46: {  	s3 =	rddreg [dreg:$0x2];
	[bflag:$0x3] =	sbarrier.arrive $0xFFFF;
	s2 =	simm.s32 @!p0 $0x1C01  }
0x47: {  	[timem:s3], [sflag:s2] =	dma.local @!p0 [hbm:s0], s1  }
0x48: {  	s0 =	simm.s32 @!p0 $0x1  }
0x49: {  	_ =	swait.ge @!p0 [sflag:s0], s1  }
0x4a: {  	s1 =	ssub.s32 @!p0 $0x0, s1;
	[sflag:s0] =	ssyncset.done @!p0 $0x0  }
0x4b: {  	[sflag:s0] =	ssyncadd.s32 @!p0 s1  }
0x4c: {  	[bflag:$0x3] =	sbarrier.arrive $0xFFFF  }
0x4d: {  	_ =	shalt  }

</sc_bundles>
